<compile_context>
chip_gen: v7x
topology: tpu7x:2x2x1
jax: 0.10.2.dev20260603
libtpu: 0.0.44.dev20260713+nightly
codegen_flags: <defaults>
</compile_context>

<pallas_src>
import functools

import jax
import jax.numpy as jnp
from jax import lax
from jax.experimental import pallas as pl
from jax.experimental.pallas import tpu as pltpu
from jax.experimental.pallas import tpu_sc as plsc

N = 10000
E = 320000
D = 128
G = 16
T = 4
NUM_CLS = 2



def _mm_bias_body(x_ref, w_ref, b_ref, o_ref):
    o_ref[...] = (
        jnp.dot(x_ref[...], w_ref[...], preferred_element_type=jnp.float32)
        + b_ref[...]
    )


def _mm_bias(x, W, b2):
    n, k = x.shape
    m = W.shape[1]
    bn = 2000
    return pl.pallas_call(
        _mm_bias_body,
        grid=(n // bn,),
        in_specs=[
            pl.BlockSpec((bn, k), lambda i: (i, 0)),
            pl.BlockSpec((k, m), lambda i: (0, 0)),
            pl.BlockSpec((1, m), lambda i: (0, 0)),
        ],
        out_specs=pl.BlockSpec((bn, m), lambda i: (i, 0)),
        out_shape=jax.ShapeDtypeStruct((n, m), jnp.float32),
    )(x, W, b2)


def _gru_body(p0_ref, p1_ref, h_ref, wg_ref, wih_ref, whh_ref, bih_ref,
              bhh_ref, o_ref):
    aggh = p0_ref[...] + p1_ref[...]
    msg = jnp.dot(aggh, wg_ref[...], preferred_element_type=jnp.float32)
    gi = jnp.dot(msg, wih_ref[...], preferred_element_type=jnp.float32) + bih_ref[...]
    gh = jnp.dot(h_ref[...], whh_ref[...], preferred_element_type=jnp.float32) + bhh_ref[...]
    i_r, i_z, i_n = gi[:, :D], gi[:, D:2 * D], gi[:, 2 * D:]
    h_r, h_z, h_n = gh[:, :D], gh[:, D:2 * D], gh[:, 2 * D:]
    r = jax.nn.sigmoid(i_r + h_r)
    z = jax.nn.sigmoid(i_z + h_z)
    nn_ = jnp.tanh(i_n + r * h_n)
    h = h_ref[...]
    o_ref[...] = (1.0 - z) * nn_ + z * h


def _gru_step(p0, p1, h, Wg, WihT, WhhT, bih2, bhh2):
    bn = 2000
    return pl.pallas_call(
        _gru_body,
        grid=(N // bn,),
        in_specs=[
            pl.BlockSpec((bn, D), lambda i: (i, 0)),
            pl.BlockSpec((bn, D), lambda i: (i, 0)),
            pl.BlockSpec((bn, D), lambda i: (i, 0)),
            pl.BlockSpec((D, D), lambda i: (0, 0)),
            pl.BlockSpec((D, 3 * D), lambda i: (0, 0)),
            pl.BlockSpec((D, 3 * D), lambda i: (0, 0)),
            pl.BlockSpec((1, 3 * D), lambda i: (0, 0)),
            pl.BlockSpec((1, 3 * D), lambda i: (0, 0)),
        ],
        out_specs=pl.BlockSpec((bn, D), lambda i: (i, 0)),
        out_shape=jax.ShapeDtypeStruct((N, D), jnp.float32),
    )(p0, p1, h, Wg, WihT, WhhT, bih2, bhh2)


def _pool_body(h_ref, b_ref, gw_ref, gb_ref, nw_ref, nb_ref, o_ref):
    h = h_ref[...]
    batch = b_ref[...]
    gidx = lax.broadcasted_iota(jnp.int32, (N, G), 1)
    mask = batch == gidx
    maskf = mask.astype(jnp.float32)
    gate = jnp.dot(h, gw_ref[...], preferred_element_type=jnp.float32) + gb_ref[...]
    gmax = jnp.max(jnp.where(mask, gate, -1e30), axis=0, keepdims=True)
    gsel = jnp.sum(maskf * gmax, axis=1, keepdims=True)
    e = jnp.exp(gate - gsel)
    denom = jnp.sum(maskf * e, axis=0, keepdims=True)
    dsel = jnp.sum(maskf * denom, axis=1, keepdims=True)
    alpha = e / dsel
    feat = jnp.dot(h, nw_ref[...], preferred_element_type=jnp.float32) + nb_ref[...]
    w = alpha * feat
    pooled = lax.dot_general(maskf, w, (((0,), (0,)), ((), ())),
                             preferred_element_type=jnp.float32)
    pm = jnp.max(pooled, axis=1, keepdims=True)
    pe = jnp.exp(pooled - pm)
    o_ref[...] = pe / jnp.sum(pe, axis=1, keepdims=True)


def _pool(h, batch2, gate_W, gate_b2, nn_W, nn_b2):
    return pl.pallas_call(
        _pool_body,
        out_shape=jax.ShapeDtypeStruct((G, NUM_CLS), jnp.float32),
    )(h, batch2, gate_W, gate_b2, nn_W, nn_b2)



NC = 2
NS = 16
NW = NC * NS
E_PER_TILE = E // NW
CHUNK = 128
NPC = 80
PAD_E = NPC * CHUNK - E_PER_TILE
N_PAD = 10240
ROWS_PER_TILE = N_PAD // NS
HALF_ROWS = NPC


PROBE_SCATTER = False


def _sc_agg_body(h_hbm, ei_hbm, zeros_hbm, out_hbm,
                 shared, ei_h, rows0, rows1,
                 gs0, gs1, ss0, ss1):
    cid = lax.axis_index("c")
    sid = lax.axis_index("s")
    wid = sid * NC + cid
    r0 = sid * ROWS_PER_TILE
    pltpu.sync_copy(zeros_hbm.at[pl.ds(r0, ROWS_PER_TILE)],
                    shared.at[pl.ds(r0, ROWS_PER_TILE)])
    plsc.subcore_barrier()

    scatter_bytes = CHUNK * D * 4
    for half in range(2):
        pltpu.sync_copy(ei_hbm.at[wid].at[pl.ds(half * HALF_ROWS, HALF_ROWS)],
                        ei_h)

        def pair_body(p, carry):
            q = 4 * p
            qm = 4 * (p - 1)

            @pl.when(p > 0)
            def _w0():
                PROBE_SCATTER and pltpu.make_async_copy(
                    rows0, shared.at[ei_h.at[qm + 1]], ss0).wait()

            g0 = pltpu.async_copy(h_hbm.at[ei_h.at[q]], rows0, gs0)

            @pl.when(p > 0)
            def _w1():
                PROBE_SCATTER and pltpu.make_async_copy(
                    rows1, shared.at[ei_h.at[qm + 3]], ss1).wait()

            g1 = pltpu.async_copy(h_hbm.at[ei_h.at[q + 2]], rows1, gs1)
            g0.wait()
            PROBE_SCATTER and pltpu.async_copy(rows0, shared.at[ei_h.at[q + 1]], ss0, add=True)
            g1.wait()
            PROBE_SCATTER and pltpu.async_copy(rows1, shared.at[ei_h.at[q + 3]], ss1, add=True)
            return carry

        lax.fori_loop(0, HALF_ROWS // 4, pair_body, 0)
        qlast = HALF_ROWS - 4
        PROBE_SCATTER and pltpu.make_async_copy(
            rows0, shared.at[ei_h.at[qlast + 1]], ss0).wait()
        PROBE_SCATTER and pltpu.make_async_copy(
            rows1, shared.at[ei_h.at[qlast + 3]], ss1).wait()
    plsc.subcore_barrier()
    pltpu.sync_copy(shared.at[pl.ds(r0, ROWS_PER_TILE)],
                    out_hbm.at[pl.ds(cid * N_PAD + r0, ROWS_PER_TILE)])


def _sc_aggregate(h, ei, zeros):
    mesh = plsc.VectorSubcoreMesh(core_axis_name="c", subcore_axis_name="s")
    k = pl.kernel(
        _sc_agg_body,
        mesh=mesh,
        out_type=jax.ShapeDtypeStruct((NC * N_PAD, D), jnp.float32),
        scratch_types=[
            pltpu.VMEM_SHARED((N_PAD, D), jnp.float32),
            pltpu.VMEM((HALF_ROWS, CHUNK), jnp.int32),
            pltpu.VMEM((CHUNK, D), jnp.float32),
            pltpu.VMEM((CHUNK, D), jnp.float32),
            pltpu.SemaphoreType.DMA,
            pltpu.SemaphoreType.DMA,
            pltpu.SemaphoreType.DMA,
            pltpu.SemaphoreType.DMA,
        ],
    )
    return k(h, ei, zeros)


def _build_edge_chunks(edge_index):
    src2 = edge_index[0].reshape(NW, E_PER_TILE)
    dst2 = edge_index[1].reshape(NW, E_PER_TILE)
    pad = jnp.arange(NW * PAD_E, dtype=jnp.int32).reshape(NW, PAD_E)
    pad_src = (pad * 131) % N
    pad_dst = N + pad % (N_PAD - N)
    srcp = jnp.concatenate([src2, pad_src], axis=1).reshape(NW, NPC, CHUNK)
    dstp = jnp.concatenate([dst2, pad_dst], axis=1).reshape(NW, NPC, CHUNK)
    return jnp.stack([srcp, dstp], axis=2).reshape(NW, 2 * NPC, CHUNK)



def kernel(x, edge_index, batch, W_red, b_red, ggc_W, gru_Wih, gru_Whh,
           gru_bih, gru_bhh, gate_W, gate_b, nn_W, nn_b):
    ei = _build_edge_chunks(edge_index)
    WihT = gru_Wih.T
    WhhT = gru_Whh.T
    bih2 = gru_bih.reshape(1, 3 * D)
    bhh2 = gru_bhh.reshape(1, 3 * D)
    b_red2 = b_red.reshape(1, D)
    gate_b2 = gate_b.reshape(1, 1)
    nn_b2 = nn_b.reshape(1, NUM_CLS)
    batch2 = batch.reshape(N, 1)

    h = _mm_bias(x, W_red, b_red2)
    zeros = jnp.zeros((N_PAD, D), jnp.float32)
    for i in range(T):
        parts = _sc_aggregate(h, ei, zeros)
        h = _gru_step(parts[:N], parts[N_PAD:N_PAD + N], h, ggc_W[i],
                      WihT, WhhT, bih2, bhh2)
    return _pool(h, batch2, gate_W, gate_b2, nn_W, nn_b2)

# --- scband reference (transcript-rebuilt; emitter-appended) ---
"""Pipeline reference for scband-net-25769803776036 (READ-ONLY COPY).

The authoritative reference and input builder live on the scoring server;
editing this copy changes nothing except your own understanding.
"""

import jax, jax.numpy as jnp
import numpy as np

N = 10000
E = 320000
D = 128
G = 16
T = 4
NUM_CLS = 2


def setup_inputs(seed: int = 0) -> dict:
    key = jax.random.key(seed)
    ks = jax.random.split(key, 16)
    x = jax.random.normal(ks[0], (N, D), dtype=jnp.float32)
    edge_index = jax.random.randint(ks[1], (2, E), 0, N, dtype=jnp.int32)
    batch = jnp.sort(jax.random.randint(ks[2], (N,), 0, G, dtype=jnp.int32))
    s = 0.05
    W_red = jax.random.normal(ks[3], (D, D), dtype=jnp.float32) * s
    b_red = jnp.zeros((D,), dtype=jnp.float32)
    ggc_W = jax.random.normal(ks[4], (T, D, D), dtype=jnp.float32) * s
    gru_Wih = jax.random.normal(ks[5], (3 * D, D), dtype=jnp.float32) * s
    gru_Whh = jax.random.normal(ks[6], (3 * D, D), dtype=jnp.float32) * s
    gru_bih = jnp.zeros((3 * D,), dtype=jnp.float32)
    gru_bhh = jnp.zeros((3 * D,), dtype=jnp.float32)
    gate_W = jax.random.normal(ks[7], (D, 1), dtype=jnp.float32) * s
    gate_b = jnp.zeros((1,), dtype=jnp.float32)
    nn_W = jax.random.normal(ks[8], (D, NUM_CLS), dtype=jnp.float32) * s
    nn_b = jnp.zeros((NUM_CLS,), dtype=jnp.float32)
    return {
        "x": x, "edge_index": edge_index, "batch": batch,
        "W_red": W_red, "b_red": b_red, "ggc_W": ggc_W,
        "gru_Wih": gru_Wih, "gru_Whh": gru_Whh, "gru_bih": gru_bih, "gru_bhh": gru_bhh,
        "gate_W": gate_W, "gate_b": gate_b, "nn_W": nn_W, "nn_b": nn_b,
    }


def reference(x, edge_index, batch, W_red, b_red, ggc_W, gru_Wih, gru_Whh,
              gru_bih, gru_bhh, gate_W, gate_b, nn_W, nn_b):
    # x = self.reduce(x)
    h = x @ W_red + b_red
    src = edge_index[0]
    dst = edge_index[1]
    # GatedGraphConv: T steps of (linear -> scatter-add aggregate -> GRUCell)
    for i in range(T):
        m = h @ ggc_W[i]
        agg = jax.ops.segment_sum(jnp.take(m, src, axis=0), dst, num_segments=N)
        gi = agg @ gru_Wih.T + gru_bih
        gh = h @ gru_Whh.T + gru_bhh
        i_r, i_z, i_n = jnp.split(gi, 3, axis=1)
        h_r, h_z, h_n = jnp.split(gh, 3, axis=1)
        r = jax.nn.sigmoid(i_r + h_r)
        z = jax.nn.sigmoid(i_z + h_z)
        n = jnp.tanh(i_n + r * h_n)
        h = (1.0 - z) * n + z * h
    # GlobalAttention pooling per graph
    gate = (h @ gate_W + gate_b)[:, 0]
    gmax = jax.ops.segment_max(gate, batch, num_segments=G)
    gate = jnp.exp(gate - gmax[batch])
    denom = jax.ops.segment_sum(gate, batch, num_segments=G)
    alpha = gate / denom[batch]
    feat = h @ nn_W + nn_b
    pooled = jax.ops.segment_sum(alpha[:, None] * feat, batch, num_segments=G)
    return jax.nn.softmax(pooled, axis=1)

if __name__ == "__main__":
    import jax
    _d = setup_inputs()
    print(jax.jit(kernel)(*tuple(_d.values())))

</pallas_src>

<mosaic_0001>
#map = affine_map<(d0, d1) -> (0, 0)>
#map1 = affine_map<(d0, d1) -> (0, 0, 0)>
module attributes {stable_mosaic.version = 14 : i64} {
  func.func @_sc_agg_body(%arg0: i32, %arg1: i32, %arg2: memref<10000x128xf32, #tpu.memory_space<hbm>>, %arg3: memref<32x160x128xi32, #tpu.memory_space<hbm>>, %arg4: memref<10240x128xf32, #tpu.memory_space<hbm>>, %arg5: memref<20480x128xf32, #tpu.memory_space<hbm>>, %arg6: memref<10240x128xf32, #tpu.memory_space<vmem_shared>>, %arg7: memref<80x128xi32, #tpu.memory_space<vmem>>, %arg8: memref<128x128xf32, #tpu.memory_space<vmem>>, %arg9: memref<128x128xf32, #tpu.memory_space<vmem>>, %arg10: memref<!tpu.dma_semaphore, #tpu.memory_space<semaphore_mem>>, %arg11: memref<!tpu.dma_semaphore, #tpu.memory_space<semaphore_mem>>, %arg12: memref<!tpu.dma_semaphore, #tpu.memory_space<semaphore_mem>>, %arg13: memref<!tpu.dma_semaphore, #tpu.memory_space<semaphore_mem>>) attributes {dimension_semantics = [#tpu.dimension_semantics<core_parallel>, #tpu.dimension_semantics<subcore_parallel>], iteration_bounds = array<i64: 2, 16>, scalar_prefetch = 0 : i64, scratch_operands = 8 : i64, tpu.core_type = #tpu.core_type<sc_vector_subcore>, window_params = [{transform_indices = #map}, {transform_indices = #map1}, {transform_indices = #map}, {transform_indices = #map}]} {
    %mul3A = arith.constant 2 : i32
    %mul3A_0 = arith.muli %arg1, %mul3A : i32
    %add3A = arith.addi %mul3A_0, %arg0 : i32
    %mul3A_1 = arith.constant 640 : i32
    %mul3A_2 = arith.muli %arg1, %mul3A_1 : i32
    "tpu.region"() ({
      %run_scoped3A = tpu.sem_alloc : memref<!tpu.dma_semaphore, #tpu.memory_space<semaphore_mem>>
      %dma_start3A = arith.constant 0 : i32
      %dma_start3A_18 = tpu.memref_slice %arg6[%mul3A_2, %dma_start3A] : memref<10240x128xf32, #tpu.memory_space<vmem_shared>> -> memref<640x128xf32, #tpu.memory_space<vmem_shared>>
      %dma_start3A_19 = arith.constant 0 : i32
      %dma_start3A_20 = tpu.memref_slice %arg4[%mul3A_2, %dma_start3A_19] : memref<10240x128xf32, #tpu.memory_space<hbm>> -> memref<640x128xf32, #tpu.memory_space<hbm>>
      tpu.enqueue_dma source(%dma_start3A_20 : memref<640x128xf32, #tpu.memory_space<hbm>>) target(%dma_start3A_18 : memref<640x128xf32, #tpu.memory_space<vmem_shared>>) target_semaphore(%run_scoped3A : memref<!tpu.dma_semaphore, #tpu.memory_space<semaphore_mem>>)
      %dma_wait3A = arith.constant 0 : i32
      %dma_wait3A_21 = tpu.memref_slice %arg6[%mul3A_2, %dma_wait3A] : memref<10240x128xf32, #tpu.memory_space<vmem_shared>> -> memref<640x128xf32, #tpu.memory_space<vmem_shared>>
      %dma_wait3A_22 = arith.constant 0 : i32
      %dma_wait3A_23 = tpu.memref_slice %arg4[%mul3A_2, %dma_wait3A_22] : memref<10240x128xf32, #tpu.memory_space<hbm>> -> memref<640x128xf32, #tpu.memory_space<hbm>>
      tpu.wait_dma2 semaphore(%run_scoped3A : memref<!tpu.dma_semaphore, #tpu.memory_space<semaphore_mem>>) src(%dma_wait3A_23 : memref<640x128xf32, #tpu.memory_space<hbm>>) dst(%dma_wait3A_21 : memref<640x128xf32, #tpu.memory_space<vmem_shared>>)
      tpu.yield
    }) : () -> ()
    %barrier3A = arith.constant 0 : index
    tpu.barrier barrier_id(%barrier3A)
    "tpu.region"() ({
      %run_scoped3A = tpu.sem_alloc : memref<!tpu.dma_semaphore, #tpu.memory_space<semaphore_mem>>
      %dma_start3A = arith.constant 0 : i32
      %dma_start3A_18 = arith.constant 0 : i32
      %dma_start3A_19 = tpu.memref_slice %arg3[%add3A, %dma_start3A, %dma_start3A_18] : memref<32x160x128xi32, #tpu.memory_space<hbm>> -> memref<1x160x128xi32, #tpu.memory_space<hbm>>
      %dma_start3A_20 = tpu.memref_squeeze %dma_start3A_19 : memref<1x160x128xi32, #tpu.memory_space<hbm>> -> memref<160x128xi32, #tpu.memory_space<hbm>>
      %dma_start3A_21 = arith.constant 0 : i32
      %dma_start3A_22 = arith.constant 0 : i32
      %dma_start3A_23 = tpu.memref_slice %dma_start3A_20[%dma_start3A_21, %dma_start3A_22] : memref<160x128xi32, #tpu.memory_space<hbm>> -> memref<80x128xi32, #tpu.memory_space<hbm>>
      %dma_start3A_24 = arith.constant 0 : i32
      %dma_start3A_25 = arith.constant 0 : i32
      %dma_start3A_26 = tpu.memref_slice %arg3[%add3A, %dma_start3A_24, %dma_start3A_25] : memref<32x160x128xi32, #tpu.memory_space<hbm>> -> memref<1x160x128xi32, #tpu.memory_space<hbm>>
      %dma_start3A_27 = tpu.memref_squeeze %dma_start3A_26 : memref<1x160x128xi32, #tpu.memory_space<hbm>> -> memref<160x128xi32, #tpu.memory_space<hbm>>
      %dma_start3A_28 = arith.constant 0 : i32
      %dma_start3A_29 = arith.constant 0 : i32
      %dma_start3A_30 = tpu.memref_slice %dma_start3A_27[%dma_start3A_28, %dma_start3A_29] : memref<160x128xi32, #tpu.memory_space<hbm>> -> memref<80x128xi32, #tpu.memory_space<hbm>>
      tpu.enqueue_dma source(%dma_start3A_30 : memref<80x128xi32, #tpu.memory_space<hbm>>) target(%arg7 : memref<80x128xi32, #tpu.memory_space<vmem>>) target_semaphore(%run_scoped3A : memref<!tpu.dma_semaphore, #tpu.memory_space<semaphore_mem>>)
      %dma_wait3A = arith.constant 0 : i32
      %dma_wait3A_31 = arith.constant 0 : i32
      %dma_wait3A_32 = tpu.memref_slice %arg3[%add3A, %dma_wait3A, %dma_wait3A_31] : memref<32x160x128xi32, #tpu.memory_space<hbm>> -> memref<1x160x128xi32, #tpu.memory_space<hbm>>
      %dma_wait3A_33 = tpu.memref_squeeze %dma_wait3A_32 : memref<1x160x128xi32, #tpu.memory_space<hbm>> -> memref<160x128xi32, #tpu.memory_space<hbm>>
      %dma_wait3A_34 = arith.constant 0 : i32
      %dma_wait3A_35 = arith.constant 0 : i32
      %dma_wait3A_36 = tpu.memref_slice %dma_wait3A_33[%dma_wait3A_34, %dma_wait3A_35] : memref<160x128xi32, #tpu.memory_space<hbm>> -> memref<80x128xi32, #tpu.memory_space<hbm>>
      %dma_wait3A_37 = arith.constant 0 : i32
      %dma_wait3A_38 = arith.constant 0 : i32
      %dma_wait3A_39 = tpu.memref_slice %arg3[%add3A, %dma_wait3A_37, %dma_wait3A_38] : memref<32x160x128xi32, #tpu.memory_space<hbm>> -> memref<1x160x128xi32, #tpu.memory_space<hbm>>
      %dma_wait3A_40 = tpu.memref_squeeze %dma_wait3A_39 : memref<1x160x128xi32, #tpu.memory_space<hbm>> -> memref<160x128xi32, #tpu.memory_space<hbm>>
      %dma_wait3A_41 = arith.constant 0 : i32
      %dma_wait3A_42 = arith.constant 0 : i32
      %dma_wait3A_43 = tpu.memref_slice %dma_wait3A_40[%dma_wait3A_41, %dma_wait3A_42] : memref<160x128xi32, #tpu.memory_space<hbm>> -> memref<80x128xi32, #tpu.memory_space<hbm>>
      tpu.wait_dma2 semaphore(%run_scoped3A : memref<!tpu.dma_semaphore, #tpu.memory_space<semaphore_mem>>) src(%dma_wait3A_43 : memref<80x128xi32, #tpu.memory_space<hbm>>) dst(%arg7 : memref<80x128xi32, #tpu.memory_space<vmem>>)
      tpu.yield
    }) : () -> ()
    %scan3A = arith.constant 0 : i32
    %scan3A_3 = arith.constant 0 : i32
    %scan3A_4 = arith.constant 20 : i32
    %scan3A_5 = arith.addi %scan3A_3, %scan3A_4 : i32
    %scan3A_6 = arith.constant 1 : i32
    scf.for %scan3A_18 = %scan3A_3 to %scan3A_5 step %scan3A_6  : i32 {
      %mul3A_19 = arith.constant 4 : i32
      %mul3A_20 = arith.muli %mul3A_19, %scan3A_18 : i32
      %sub3A = arith.constant 1 : i32
      %sub3A_21 = arith.subi %scan3A_18, %sub3A : i32
      %mul3A_22 = arith.constant 4 : i32
      %mul3A_23 = arith.muli %mul3A_22, %sub3A_21 : i32
      %gt3A = arith.constant 0 : i32
      %gt3A_24 = arith.cmpi sgt, %scan3A_18, %gt3A : i32
      %convert_element_type3A = arith.extui %gt3A_24 : i1 to i32
      %cond3A = arith.constant 0 : i32
      %cond3A_25 = arith.cmpi ne, %convert_element_type3A, %cond3A : i32
      scf.if %cond3A_25 {
      } else {
      }
      %dma_start3A = arith.constant 0 : i32
      %dma_start3A_26 = tpu.memref_slice %arg7[%mul3A_20, %dma_start3A] : memref<80x128xi32, #tpu.memory_space<vmem>> -> memref<1x128xi32, #tpu.memory_space<vmem>>
      %dma_start3A_27 = tpu.memref_squeeze %dma_start3A_26 : memref<1x128xi32, #tpu.memory_space<vmem>> -> memref<128xi32, #tpu.memory_space<vmem>>
      %dma_start3A_28 = arith.constant 0 : i32
      %dma_start3A_29 = arith.constant 0 : i32
      %dma_start3A_30 = tpu.memref_slice %arg2[%dma_start3A_28, %dma_start3A_29] : memref<10000x128xf32, #tpu.memory_space<hbm>> -> memref<10000x128xf32, #tpu.memory_space<hbm>>
      tpu.enqueue_indirect_dma source(%dma_start3A_30 : memref<10000x128xf32, #tpu.memory_space<hbm>>) target(%arg8 : memref<128x128xf32, #tpu.memory_space<vmem>>) offsets(%dma_start3A_27 : memref<128xi32, #tpu.memory_space<vmem>>) semaphore(%arg10 : memref<!tpu.dma_semaphore, #tpu.memory_space<semaphore_mem>>)
      %gt3A_31 = arith.constant 0 : i32
      %gt3A_32 = arith.cmpi sgt, %scan3A_18, %gt3A_31 : i32
      %convert_element_type3A_33 = arith.extui %gt3A_32 : i1 to i32
      %cond3A_34 = arith.constant 0 : i32
      %cond3A_35 = arith.cmpi ne, %convert_element_type3A_33, %cond3A_34 : i32
      scf.if %cond3A_35 {
      } else {
      }
      %add3A_36 = arith.constant 2 : i32
      %add3A_37 = arith.addi %mul3A_20, %add3A_36 : i32
      %dma_start3A_38 = arith.constant 0 : i32
      %dma_start3A_39 = tpu.memref_slice %arg7[%add3A_37, %dma_start3A_38] : memref<80x128xi32, #tpu.memory_space<vmem>> -> memref<1x128xi32, #tpu.memory_space<vmem>>
      %dma_start3A_40 = tpu.memref_squeeze %dma_start3A_39 : memref<1x128xi32, #tpu.memory_space<vmem>> -> memref<128xi32, #tpu.memory_space<vmem>>
      %dma_start3A_41 = arith.constant 0 : i32
      %dma_start3A_42 = arith.constant 0 : i32
      %dma_start3A_43 = tpu.memref_slice %arg2[%dma_start3A_41, %dma_start3A_42] : memref<10000x128xf32, #tpu.memory_space<hbm>> -> memref<10000x128xf32, #tpu.memory_space<hbm>>
      tpu.enqueue_indirect_dma source(%dma_start3A_43 : memref<10000x128xf32, #tpu.memory_space<hbm>>) target(%arg9 : memref<128x128xf32, #tpu.memory_space<vmem>>) offsets(%dma_start3A_40 : memref<128xi32, #tpu.memory_space<vmem>>) semaphore(%arg11 : memref<!tpu.dma_semaphore, #tpu.memory_space<semaphore_mem>>)
      %dma_wait3A = arith.constant 0 : i32
      %dma_wait3A_44 = tpu.memref_slice %arg7[%mul3A_20, %dma_wait3A] : memref<80x128xi32, #tpu.memory_space<vmem>> -> memref<1x128xi32, #tpu.memory_space<vmem>>
      %dma_wait3A_45 = tpu.memref_squeeze %dma_wait3A_44 : memref<1x128xi32, #tpu.memory_space<vmem>> -> memref<128xi32, #tpu.memory_space<vmem>>
      %dma_wait3A_46 = arith.constant 0 : i32
      %dma_wait3A_47 = arith.constant 0 : i32
      %dma_wait3A_48 = tpu.memref_slice %arg2[%dma_wait3A_46, %dma_wait3A_47] : memref<10000x128xf32, #tpu.memory_space<hbm>> -> memref<10000x128xf32, #tpu.memory_space<hbm>>
      tpu.wait_indirect_dma semaphore(%arg10 : memref<!tpu.dma_semaphore, #tpu.memory_space<semaphore_mem>>) src(%dma_wait3A_48 : memref<10000x128xf32, #tpu.memory_space<hbm>>) dst(%arg8 : memref<128x128xf32, #tpu.memory_space<vmem>>)
      %dma_wait3A_49 = arith.constant 0 : i32
      %dma_wait3A_50 = tpu.memref_slice %arg7[%add3A_37, %dma_wait3A_49] : memref<80x128xi32, #tpu.memory_space<vmem>> -> memref<1x128xi32, #tpu.memory_space<vmem>>
      %dma_wait3A_51 = tpu.memref_squeeze %dma_wait3A_50 : memref<1x128xi32, #tpu.memory_space<vmem>> -> memref<128xi32, #tpu.memory_space<vmem>>
      %dma_wait3A_52 = arith.constant 0 : i32
      %dma_wait3A_53 = arith.constant 0 : i32
      %dma_wait3A_54 = tpu.memref_slice %arg2[%dma_wait3A_52, %dma_wait3A_53] : memref<10000x128xf32, #tpu.memory_space<hbm>> -> memref<10000x128xf32, #tpu.memory_space<hbm>>
      tpu.wait_indirect_dma semaphore(%arg11 : memref<!tpu.dma_semaphore, #tpu.memory_space<semaphore_mem>>) src(%dma_wait3A_54 : memref<10000x128xf32, #tpu.memory_space<hbm>>) dst(%arg9 : memref<128x128xf32, #tpu.memory_space<vmem>>)
    }
    %scan3A_7 = arith.constant 20 : i32
    "tpu.region"() ({
      %run_scoped3A = tpu.sem_alloc : memref<!tpu.dma_semaphore, #tpu.memory_space<semaphore_mem>>
      %dma_start3A = arith.constant 0 : i32
      %dma_start3A_18 = arith.constant 0 : i32
      %dma_start3A_19 = tpu.memref_slice %arg3[%add3A, %dma_start3A, %dma_start3A_18] : memref<32x160x128xi32, #tpu.memory_space<hbm>> -> memref<1x160x128xi32, #tpu.memory_space<hbm>>
      %dma_start3A_20 = tpu.memref_squeeze %dma_start3A_19 : memref<1x160x128xi32, #tpu.memory_space<hbm>> -> memref<160x128xi32, #tpu.memory_space<hbm>>
      %dma_start3A_21 = arith.constant 80 : i32
      %dma_start3A_22 = arith.constant 0 : i32
      %dma_start3A_23 = tpu.memref_slice %dma_start3A_20[%dma_start3A_21, %dma_start3A_22] : memref<160x128xi32, #tpu.memory_space<hbm>> -> memref<80x128xi32, #tpu.memory_space<hbm>>
      %dma_start3A_24 = arith.constant 0 : i32
      %dma_start3A_25 = arith.constant 0 : i32
      %dma_start3A_26 = tpu.memref_slice %arg3[%add3A, %dma_start3A_24, %dma_start3A_25] : memref<32x160x128xi32, #tpu.memory_space<hbm>> -> memref<1x160x128xi32, #tpu.memory_space<hbm>>
      %dma_start3A_27 = tpu.memref_squeeze %dma_start3A_26 : memref<1x160x128xi32, #tpu.memory_space<hbm>> -> memref<160x128xi32, #tpu.memory_space<hbm>>
      %dma_start3A_28 = arith.constant 80 : i32
      %dma_start3A_29 = arith.constant 0 : i32
      %dma_start3A_30 = tpu.memref_slice %dma_start3A_27[%dma_start3A_28, %dma_start3A_29] : memref<160x128xi32, #tpu.memory_space<hbm>> -> memref<80x128xi32, #tpu.memory_space<hbm>>
      tpu.enqueue_dma source(%dma_start3A_30 : memref<80x128xi32, #tpu.memory_space<hbm>>) target(%arg7 : memref<80x128xi32, #tpu.memory_space<vmem>>) target_semaphore(%run_scoped3A : memref<!tpu.dma_semaphore, #tpu.memory_space<semaphore_mem>>)
      %dma_wait3A = arith.constant 0 : i32
      %dma_wait3A_31 = arith.constant 0 : i32
      %dma_wait3A_32 = tpu.memref_slice %arg3[%add3A, %dma_wait3A, %dma_wait3A_31] : memref<32x160x128xi32, #tpu.memory_space<hbm>> -> memref<1x160x128xi32, #tpu.memory_space<hbm>>
      %dma_wait3A_33 = tpu.memref_squeeze %dma_wait3A_32 : memref<1x160x128xi32, #tpu.memory_space<hbm>> -> memref<160x128xi32, #tpu.memory_space<hbm>>
      %dma_wait3A_34 = arith.constant 80 : i32
      %dma_wait3A_35 = arith.constant 0 : i32
      %dma_wait3A_36 = tpu.memref_slice %dma_wait3A_33[%dma_wait3A_34, %dma_wait3A_35] : memref<160x128xi32, #tpu.memory_space<hbm>> -> memref<80x128xi32, #tpu.memory_space<hbm>>
      %dma_wait3A_37 = arith.constant 0 : i32
      %dma_wait3A_38 = arith.constant 0 : i32
      %dma_wait3A_39 = tpu.memref_slice %arg3[%add3A, %dma_wait3A_37, %dma_wait3A_38] : memref<32x160x128xi32, #tpu.memory_space<hbm>> -> memref<1x160x128xi32, #tpu.memory_space<hbm>>
      %dma_wait3A_40 = tpu.memref_squeeze %dma_wait3A_39 : memref<1x160x128xi32, #tpu.memory_space<hbm>> -> memref<160x128xi32, #tpu.memory_space<hbm>>
      %dma_wait3A_41 = arith.constant 80 : i32
      %dma_wait3A_42 = arith.constant 0 : i32
      %dma_wait3A_43 = tpu.memref_slice %dma_wait3A_40[%dma_wait3A_41, %dma_wait3A_42] : memref<160x128xi32, #tpu.memory_space<hbm>> -> memref<80x128xi32, #tpu.memory_space<hbm>>
      tpu.wait_dma2 semaphore(%run_scoped3A : memref<!tpu.dma_semaphore, #tpu.memory_space<semaphore_mem>>) src(%dma_wait3A_43 : memref<80x128xi32, #tpu.memory_space<hbm>>) dst(%arg7 : memref<80x128xi32, #tpu.memory_space<vmem>>)
      tpu.yield
    }) : () -> ()
    %scan3A_8 = arith.constant 0 : i32
    %scan3A_9 = arith.constant 0 : i32
    %scan3A_10 = arith.constant 20 : i32
    %scan3A_11 = arith.addi %scan3A_9, %scan3A_10 : i32
    %scan3A_12 = arith.constant 1 : i32
    scf.for %scan3A_18 = %scan3A_9 to %scan3A_11 step %scan3A_12  : i32 {
      %mul3A_19 = arith.constant 4 : i32
      %mul3A_20 = arith.muli %mul3A_19, %scan3A_18 : i32
      %sub3A = arith.constant 1 : i32
      %sub3A_21 = arith.subi %scan3A_18, %sub3A : i32
      %mul3A_22 = arith.constant 4 : i32
      %mul3A_23 = arith.muli %mul3A_22, %sub3A_21 : i32
      %gt3A = arith.constant 0 : i32
      %gt3A_24 = arith.cmpi sgt, %scan3A_18, %gt3A : i32
      %convert_element_type3A = arith.extui %gt3A_24 : i1 to i32
      %cond3A = arith.constant 0 : i32
      %cond3A_25 = arith.cmpi ne, %convert_element_type3A, %cond3A : i32
      scf.if %cond3A_25 {
      } else {
      }
      %dma_start3A = arith.constant 0 : i32
      %dma_start3A_26 = tpu.memref_slice %arg7[%mul3A_20, %dma_start3A] : memref<80x128xi32, #tpu.memory_space<vmem>> -> memref<1x128xi32, #tpu.memory_space<vmem>>
      %dma_start3A_27 = tpu.memref_squeeze %dma_start3A_26 : memref<1x128xi32, #tpu.memory_space<vmem>> -> memref<128xi32, #tpu.memory_space<vmem>>
      %dma_start3A_28 = arith.constant 0 : i32
      %dma_start3A_29 = arith.constant 0 : i32
      %dma_start3A_30 = tpu.memref_slice %arg2[%dma_start3A_28, %dma_start3A_29] : memref<10000x128xf32, #tpu.memory_space<hbm>> -> memref<10000x128xf32, #tpu.memory_space<hbm>>
      tpu.enqueue_indirect_dma source(%dma_start3A_30 : memref<10000x128xf32, #tpu.memory_space<hbm>>) target(%arg8 : memref<128x128xf32, #tpu.memory_space<vmem>>) offsets(%dma_start3A_27 : memref<128xi32, #tpu.memory_space<vmem>>) semaphore(%arg10 : memref<!tpu.dma_semaphore, #tpu.memory_space<semaphore_mem>>)
      %gt3A_31 = arith.constant 0 : i32
      %gt3A_32 = arith.cmpi sgt, %scan3A_18, %gt3A_31 : i32
      %convert_element_type3A_33 = arith.extui %gt3A_32 : i1 to i32
      %cond3A_34 = arith.constant 0 : i32
      %cond3A_35 = arith.cmpi ne, %convert_element_type3A_33, %cond3A_34 : i32
      scf.if %cond3A_35 {
      } else {
      }
      %add3A_36 = arith.constant 2 : i32
      %add3A_37 = arith.addi %mul3A_20, %add3A_36 : i32
      %dma_start3A_38 = arith.constant 0 : i32
      %dma_start3A_39 = tpu.memref_slice %arg7[%add3A_37, %dma_start3A_38] : memref<80x128xi32, #tpu.memory_space<vmem>> -> memref<1x128xi32, #tpu.memory_space<vmem>>
      %dma_start3A_40 = tpu.memref_squeeze %dma_start3A_39 : memref<1x128xi32, #tpu.memory_space<vmem>> -> memref<128xi32, #tpu.memory_space<vmem>>
      %dma_start3A_41 = arith.constant 0 : i32
      %dma_start3A_42 = arith.constant 0 : i32
      %dma_start3A_43 = tpu.memref_slice %arg2[%dma_start3A_41, %dma_start3A_42] : memref<10000x128xf32, #tpu.memory_space<hbm>> -> memref<10000x128xf32, #tpu.memory_space<hbm>>
      tpu.enqueue_indirect_dma source(%dma_start3A_43 : memref<10000x128xf32, #tpu.memory_space<hbm>>) target(%arg9 : memref<128x128xf32, #tpu.memory_space<vmem>>) offsets(%dma_start3A_40 : memref<128xi32, #tpu.memory_space<vmem>>) semaphore(%arg11 : memref<!tpu.dma_semaphore, #tpu.memory_space<semaphore_mem>>)
      %dma_wait3A = arith.constant 0 : i32
      %dma_wait3A_44 = tpu.memref_slice %arg7[%mul3A_20, %dma_wait3A] : memref<80x128xi32, #tpu.memory_space<vmem>> -> memref<1x128xi32, #tpu.memory_space<vmem>>
      %dma_wait3A_45 = tpu.memref_squeeze %dma_wait3A_44 : memref<1x128xi32, #tpu.memory_space<vmem>> -> memref<128xi32, #tpu.memory_space<vmem>>
      %dma_wait3A_46 = arith.constant 0 : i32
      %dma_wait3A_47 = arith.constant 0 : i32
      %dma_wait3A_48 = tpu.memref_slice %arg2[%dma_wait3A_46, %dma_wait3A_47] : memref<10000x128xf32, #tpu.memory_space<hbm>> -> memref<10000x128xf32, #tpu.memory_space<hbm>>
      tpu.wait_indirect_dma semaphore(%arg10 : memref<!tpu.dma_semaphore, #tpu.memory_space<semaphore_mem>>) src(%dma_wait3A_48 : memref<10000x128xf32, #tpu.memory_space<hbm>>) dst(%arg8 : memref<128x128xf32, #tpu.memory_space<vmem>>)
      %dma_wait3A_49 = arith.constant 0 : i32
      %dma_wait3A_50 = tpu.memref_slice %arg7[%add3A_37, %dma_wait3A_49] : memref<80x128xi32, #tpu.memory_space<vmem>> -> memref<1x128xi32, #tpu.memory_space<vmem>>
      %dma_wait3A_51 = tpu.memref_squeeze %dma_wait3A_50 : memref<1x128xi32, #tpu.memory_space<vmem>> -> memref<128xi32, #tpu.memory_space<vmem>>
      %dma_wait3A_52 = arith.constant 0 : i32
      %dma_wait3A_53 = arith.constant 0 : i32
      %dma_wait3A_54 = tpu.memref_slice %arg2[%dma_wait3A_52, %dma_wait3A_53] : memref<10000x128xf32, #tpu.memory_space<hbm>> -> memref<10000x128xf32, #tpu.memory_space<hbm>>
      tpu.wait_indirect_dma semaphore(%arg11 : memref<!tpu.dma_semaphore, #tpu.memory_space<semaphore_mem>>) src(%dma_wait3A_54 : memref<10000x128xf32, #tpu.memory_space<hbm>>) dst(%arg9 : memref<128x128xf32, #tpu.memory_space<vmem>>)
    }
    %scan3A_13 = arith.constant 20 : i32
    %barrier3A_14 = arith.constant 0 : index
    tpu.barrier barrier_id(%barrier3A_14)
    %mul3A_15 = arith.constant 10240 : i32
    %mul3A_16 = arith.muli %arg0, %mul3A_15 : i32
    %add3A_17 = arith.addi %mul3A_16, %mul3A_2 : i32
    "tpu.region"() ({
      %run_scoped3A = tpu.sem_alloc : memref<!tpu.dma_semaphore, #tpu.memory_space<semaphore_mem>>
      %dma_start3A = arith.constant 0 : i32
      %dma_start3A_18 = tpu.memref_slice %arg5[%add3A_17, %dma_start3A] : memref<20480x128xf32, #tpu.memory_space<hbm>> -> memref<640x128xf32, #tpu.memory_space<hbm>>
      %dma_start3A_19 = arith.constant 0 : i32
      %dma_start3A_20 = tpu.memref_slice %arg6[%mul3A_2, %dma_start3A_19] : memref<10240x128xf32, #tpu.memory_space<vmem_shared>> -> memref<640x128xf32, #tpu.memory_space<vmem_shared>>
      tpu.enqueue_dma source(%dma_start3A_20 : memref<640x128xf32, #tpu.memory_space<vmem_shared>>) target(%dma_start3A_18 : memref<640x128xf32, #tpu.memory_space<hbm>>) target_semaphore(%run_scoped3A : memref<!tpu.dma_semaphore, #tpu.memory_space<semaphore_mem>>)
      %dma_wait3A = arith.constant 0 : i32
      %dma_wait3A_21 = tpu.memref_slice %arg5[%add3A_17, %dma_wait3A] : memref<20480x128xf32, #tpu.memory_space<hbm>> -> memref<640x128xf32, #tpu.memory_space<hbm>>
      %dma_wait3A_22 = arith.constant 0 : i32
      %dma_wait3A_23 = tpu.memref_slice %arg6[%mul3A_2, %dma_wait3A_22] : memref<10240x128xf32, #tpu.memory_space<vmem_shared>> -> memref<640x128xf32, #tpu.memory_space<vmem_shared>>
      tpu.wait_dma2 semaphore(%run_scoped3A : memref<!tpu.dma_semaphore, #tpu.memory_space<semaphore_mem>>) src(%dma_wait3A_23 : memref<640x128xf32, #tpu.memory_space<vmem_shared>>) dst(%dma_wait3A_21 : memref<640x128xf32, #tpu.memory_space<hbm>>)
      tpu.yield
    }) : () -> ()
    return
  }
}

#map = affine_map<(d0, d1) -> (0, 0)>
#map1 = affine_map<(d0, d1) -> (0, 0, 0)>
module attributes {stable_mosaic.version = 14 : i64} {
  func.func @_sc_agg_body(%arg0: i32, %arg1: i32, %arg2: memref<10000x128xf32, #tpu.memory_space<hbm>>, %arg3: memref<32x160x128xi32, #tpu.memory_space<hbm>>, %arg4: memref<10240x128xf32, #tpu.memory_space<hbm>>, %arg5: memref<20480x128xf32, #tpu.memory_space<hbm>>, %arg6: memref<10240x128xf32, #tpu.memory_space<vmem_shared>>, %arg7: memref<80x128xi32, #tpu.memory_space<vmem>>, %arg8: memref<128x128xf32, #tpu.memory_space<vmem>>, %arg9: memref<128x128xf32, #tpu.memory_space<vmem>>, %arg10: memref<!tpu.dma_semaphore, #tpu.memory_space<semaphore_mem>>, %arg11: memref<!tpu.dma_semaphore, #tpu.memory_space<semaphore_mem>>, %arg12: memref<!tpu.dma_semaphore, #tpu.memory_space<semaphore_mem>>, %arg13: memref<!tpu.dma_semaphore, #tpu.memory_space<semaphore_mem>>) attributes {dimension_semantics = [#tpu.dimension_semantics<core_parallel>, #tpu.dimension_semantics<subcore_parallel>], iteration_bounds = array<i64: 2, 16>, scalar_prefetch = 0 : i64, scratch_operands = 8 : i64, tpu.core_type = #tpu.core_type<sc_vector_subcore>, window_params = [{transform_indices = #map}, {transform_indices = #map1}, {transform_indices = #map}, {transform_indices = #map}]} {
    %mul3A = arith.constant 2 : i32
    %mul3A_0 = arith.muli %arg1, %mul3A : i32
    %add3A = arith.addi %mul3A_0, %arg0 : i32
    %mul3A_1 = arith.constant 640 : i32
    %mul3A_2 = arith.muli %arg1, %mul3A_1 : i32
    "tpu.region"() ({
      %run_scoped3A = tpu.sem_alloc : memref<!tpu.dma_semaphore, #tpu.memory_space<semaphore_mem>>
      %dma_start3A = arith.constant 0 : i32
      %dma_start3A_18 = tpu.memref_slice %arg6[%mul3A_2, %dma_start3A] : memref<10240x128xf32, #tpu.memory_space<vmem_shared>> -> memref<640x128xf32, #tpu.memory_space<vmem_shared>>
      %dma_start3A_19 = arith.constant 0 : i32
      %dma_start3A_20 = tpu.memref_slice %arg4[%mul3A_2, %dma_start3A_19] : memref<10240x128xf32, #tpu.memory_space<hbm>> -> memref<640x128xf32, #tpu.memory_space<hbm>>
      tpu.enqueue_dma source(%dma_start3A_20 : memref<640x128xf32, #tpu.memory_space<hbm>>) target(%dma_start3A_18 : memref<640x128xf32, #tpu.memory_space<vmem_shared>>) target_semaphore(%run_scoped3A : memref<!tpu.dma_semaphore, #tpu.memory_space<semaphore_mem>>)
      %dma_wait3A = arith.constant 0 : i32
      %dma_wait3A_21 = tpu.memref_slice %arg6[%mul3A_2, %dma_wait3A] : memref<10240x128xf32, #tpu.memory_space<vmem_shared>> -> memref<640x128xf32, #tpu.memory_space<vmem_shared>>
      %dma_wait3A_22 = arith.constant 0 : i32
      %dma_wait3A_23 = tpu.memref_slice %arg4[%mul3A_2, %dma_wait3A_22] : memref<10240x128xf32, #tpu.memory_space<hbm>> -> memref<640x128xf32, #tpu.memory_space<hbm>>
      tpu.wait_dma2 semaphore(%run_scoped3A : memref<!tpu.dma_semaphore, #tpu.memory_space<semaphore_mem>>) src(%dma_wait3A_23 : memref<640x128xf32, #tpu.memory_space<hbm>>) dst(%dma_wait3A_21 : memref<640x128xf32, #tpu.memory_space<vmem_shared>>)
      tpu.yield
    }) : () -> ()
    %barrier3A = arith.constant 0 : index
    tpu.barrier barrier_id(%barrier3A)
    "tpu.region"() ({
      %run_scoped3A = tpu.sem_alloc : memref<!tpu.dma_semaphore, #tpu.memory_space<semaphore_mem>>
      %dma_start3A = arith.constant 0 : i32
      %dma_start3A_18 = arith.constant 0 : i32
      %dma_start3A_19 = tpu.memref_slice %arg3[%add3A, %dma_start3A, %dma_start3A_18] : memref<32x160x128xi32, #tpu.memory_space<hbm>> -> memref<1x160x128xi32, #tpu.memory_space<hbm>>
      %dma_start3A_20 = tpu.memref_squeeze %dma_start3A_19 : memref<1x160x128xi32, #tpu.memory_space<hbm>> -> memref<160x128xi32, #tpu.memory_space<hbm>>
      %dma_start3A_21 = arith.constant 0 : i32
      %dma_start3A_22 = arith.constant 0 : i32
      %dma_start3A_23 = tpu.memref_slice %dma_start3A_20[%dma_start3A_21, %dma_start3A_22] : memref<160x128xi32, #tpu.memory_space<hbm>> -> memref<80x128xi32, #tpu.memory_space<hbm>>
      %dma_start3A_24 = arith.constant 0 : i32
      %dma_start3A_25 = arith.constant 0 : i32
      %dma_start3A_26 = tpu.memref_slice %arg3[%add3A, %dma_start3A_24, %dma_start3A_25] : memref<32x160x128xi32, #tpu.memory_space<hbm>> -> memref<1x160x128xi32, #tpu.memory_space<hbm>>
      %dma_start3A_27 = tpu.memref_squeeze %dma_start3A_26 : memref<1x160x128xi32, #tpu.memory_space<hbm>> -> memref<160x128xi32, #tpu.memory_space<hbm>>
      %dma_start3A_28 = arith.constant 0 : i32
      %dma_start3A_29 = arith.constant 0 : i32
      %dma_start3A_30 = tpu.memref_slice %dma_start3A_27[%dma_start3A_28, %dma_start3A_29] : memref<160x128xi32, #tpu.memory_space<hbm>> -> memref<80x128xi32, #tpu.memory_space<hbm>>
      tpu.enqueue_dma source(%dma_start3A_30 : memref<80x128xi32, #tpu.memory_space<hbm>>) target(%arg7 : memref<80x128xi32, #tpu.memory_space<vmem>>) target_semaphore(%run_scoped3A : memref<!tpu.dma_semaphore, #tpu.memory_space<semaphore_mem>>)
      %dma_wait3A = arith.constant 0 : i32
      %dma_wait3A_31 = arith.constant 0 : i32
      %dma_wait3A_32 = tpu.memref_slice %arg3[%add3A, %dma_wait3A, %dma_wait3A_31] : memref<32x160x128xi32, #tpu.memory_space<hbm>> -> memref<1x160x128xi32, #tpu.memory_space<hbm>>
      %dma_wait3A_33 = tpu.memref_squeeze %dma_wait3A_32 : memref<1x160x128xi32, #tpu.memory_space<hbm>> -> memref<160x128xi32, #tpu.memory_space<hbm>>
      %dma_wait3A_34 = arith.constant 0 : i32
      %dma_wait3A_35 = arith.constant 0 : i32
      %dma_wait3A_36 = tpu.memref_slice %dma_wait3A_33[%dma_wait3A_34, %dma_wait3A_35] : memref<160x128xi32, #tpu.memory_space<hbm>> -> memref<80x128xi32, #tpu.memory_space<hbm>>
      %dma_wait3A_37 = arith.constant 0 : i32
      %dma_wait3A_38 = arith.constant 0 : i32
      %dma_wait3A_39 = tpu.memref_slice %arg3[%add3A, %dma_wait3A_37, %dma_wait3A_38] : memref<32x160x128xi32, #tpu.memory_space<hbm>> -> memref<1x160x128xi32, #tpu.memory_space<hbm>>
      %dma_wait3A_40 = tpu.memref_squeeze %dma_wait3A_39 : memref<1x160x128xi32, #tpu.memory_space<hbm>> -> memref<160x128xi32, #tpu.memory_space<hbm>>
      %dma_wait3A_41 = arith.constant 0 : i32
      %dma_wait3A_42 = arith.constant 0 : i32
      %dma_wait3A_43 = tpu.memref_slice %dma_wait3A_40[%dma_wait3A_41, %dma_wait3A_42] : memref<160x128xi32, #tpu.memory_space<hbm>> -> memref<80x128xi32, #tpu.memory_space<hbm>>
      tpu.wait_dma2 semaphore(%run_scoped3A : memref<!tpu.dma_semaphore, #tpu.memory_space<semaphore_mem>>) src(%dma_wait3A_43 : memref<80x128xi32, #tpu.memory_space<hbm>>) dst(%arg7 : memref<80x128xi32, #tpu.memory_space<vmem>>)
      tpu.yield
    }) : () -> ()
    %scan3A = arith.constant 0 : i32
    %scan3A_3 = arith.constant 0 : i32
    %scan3A_4 = arith.constant 20 : i32
    %scan3A_5 = arith.addi %scan3A_3, %scan3A_4 : i32
    %scan3A_6 = arith.constant 1 : i32
    scf.for %scan3A_18 = %scan3A_3 to %scan3A_5 step %scan3A_6  : i32 {
      %mul3A_19 = arith.constant 4 : i32
      %mul3A_20 = arith.muli %mul3A_19, %scan3A_18 : i32
      %sub3A = arith.constant 1 : i32
      %sub3A_21 = arith.subi %scan3A_18, %sub3A : i32
      %mul3A_22 = arith.constant 4 : i32
      %mul3A_23 = arith.muli %mul3A_22, %sub3A_21 : i32
      %gt3A = arith.constant 0 : i32
      %gt3A_24 = arith.cmpi sgt, %scan3A_18, %gt3A : i32
      %convert_element_type3A = arith.extui %gt3A_24 : i1 to i32
      %cond3A = arith.constant 0 : i32
      %cond3A_25 = arith.cmpi ne, %convert_element_type3A, %cond3A : i32
      scf.if %cond3A_25 {
      } else {
      }
      %dma_start3A = arith.constant 0 : i32
      %dma_start3A_26 = tpu.memref_slice %arg7[%mul3A_20, %dma_start3A] : memref<80x128xi32, #tpu.memory_space<vmem>> -> memref<1x128xi32, #tpu.memory_space<vmem>>
      %dma_start3A_27 = tpu.memref_squeeze %dma_start3A_26 : memref<1x128xi32, #tpu.memory_space<vmem>> -> memref<128xi32, #tpu.memory_space<vmem>>
      %dma_start3A_28 = arith.constant 0 : i32
      %dma_start3A_29 = arith.constant 0 : i32
      %dma_start3A_30 = tpu.memref_slice %arg2[%dma_start3A_28, %dma_start3A_29] : memref<10000x128xf32, #tpu.memory_space<hbm>> -> memref<10000x128xf32, #tpu.memory_space<hbm>>
      tpu.enqueue_indirect_dma source(%dma_start3A_30 : memref<10000x128xf32, #tpu.memory_space<hbm>>) target(%arg8 : memref<128x128xf32, #tpu.memory_space<vmem>>) offsets(%dma_start3A_27 : memref<128xi32, #tpu.memory_space<vmem>>) semaphore(%arg10 : memref<!tpu.dma_semaphore, #tpu.memory_space<semaphore_mem>>)
      %gt3A_31 = arith.constant 0 : i32
      %gt3A_32 = arith.cmpi sgt, %scan3A_18, %gt3A_31 : i32
      %convert_element_type3A_33 = arith.extui %gt3A_32 : i1 to i32
      %cond3A_34 = arith.constant 0 : i32
      %cond3A_35 = arith.cmpi ne, %convert_element_type3A_33, %cond3A_34 : i32
      scf.if %cond3A_35 {
      } else {
      }
      %add3A_36 = arith.constant 2 : i32
      %add3A_37 = arith.addi %mul3A_20, %add3A_36 : i32
      %dma_start3A_38 = arith.constant 0 : i32
      %dma_start3A_39 = tpu.memref_slice %arg7[%add3A_37, %dma_start3A_38] : memref<80x128xi32, #tpu.memory_space<vmem>> -> memref<1x128xi32, #tpu.memory_space<vmem>>
      %dma_start3A_40 = tpu.memref_squeeze %dma_start3A_39 : memref<1x128xi32, #tpu.memory_space<vmem>> -> memref<128xi32, #tpu.memory_space<vmem>>
      %dma_start3A_41 = arith.constant 0 : i32
      %dma_start3A_42 = arith.constant 0 : i32
      %dma_start3A_43 = tpu.memref_slice %arg2[%dma_start3A_41, %dma_start3A_42] : memref<10000x128xf32, #tpu.memory_space<hbm>> -> memref<10000x128xf32, #tpu.memory_space<hbm>>
      tpu.enqueue_indirect_dma source(%dma_start3A_43 : memref<10000x128xf32, #tpu.memory_space<hbm>>) target(%arg9 : memref<128x128xf32, #tpu.memory_space<vmem>>) offsets(%dma_start3A_40 : memref<128xi32, #tpu.memory_space<vmem>>) semaphore(%arg11 : memref<!tpu.dma_semaphore, #tpu.memory_space<semaphore_mem>>)
      %dma_wait3A = arith.constant 0 : i32
      %dma_wait3A_44 = tpu.memref_slice %arg7[%mul3A_20, %dma_wait3A] : memref<80x128xi32, #tpu.memory_space<vmem>> -> memref<1x128xi32, #tpu.memory_space<vmem>>
      %dma_wait3A_45 = tpu.memref_squeeze %dma_wait3A_44 : memref<1x128xi32, #tpu.memory_space<vmem>> -> memref<128xi32, #tpu.memory_space<vmem>>
      %dma_wait3A_46 = arith.constant 0 : i32
      %dma_wait3A_47 = arith.constant 0 : i32
      %dma_wait3A_48 = tpu.memref_slice %arg2[%dma_wait3A_46, %dma_wait3A_47] : memref<10000x128xf32, #tpu.memory_space<hbm>> -> memref<10000x128xf32, #tpu.memory_space<hbm>>
      tpu.wait_indirect_dma semaphore(%arg10 : memref<!tpu.dma_semaphore, #tpu.memory_space<semaphore_mem>>) src(%dma_wait3A_48 : memref<10000x128xf32, #tpu.memory_space<hbm>>) dst(%arg8 : memref<128x128xf32, #tpu.memory_space<vmem>>)
      %dma_wait3A_49 = arith.constant 0 : i32
      %dma_wait3A_50 = tpu.memref_slice %arg7[%add3A_37, %dma_wait3A_49] : memref<80x128xi32, #tpu.memory_space<vmem>> -> memref<1x128xi32, #tpu.memory_space<vmem>>
      %dma_wait3A_51 = tpu.memref_squeeze %dma_wait3A_50 : memref<1x128xi32, #tpu.memory_space<vmem>> -> memref<128xi32, #tpu.memory_space<vmem>>
      %dma_wait3A_52 = arith.constant 0 : i32
      %dma_wait3A_53 = arith.constant 0 : i32
      %dma_wait3A_54 = tpu.memref_slice %arg2[%dma_wait3A_52, %dma_wait3A_53] : memref<10000x128xf32, #tpu.memory_space<hbm>> -> memref<10000x128xf32, #tpu.memory_space<hbm>>
      tpu.wait_indirect_dma semaphore(%arg11 : memref<!tpu.dma_semaphore, #tpu.memory_space<semaphore_mem>>) src(%dma_wait3A_54 : memref<10000x128xf32, #tpu.memory_space<hbm>>) dst(%arg9 : memref<128x128xf32, #tpu.memory_space<vmem>>)
    }
    %scan3A_7 = arith.constant 20 : i32
    "tpu.region"() ({
      %run_scoped3A = tpu.sem_alloc : memref<!tpu.dma_semaphore, #tpu.memory_space<semaphore_mem>>
      %dma_start3A = arith.constant 0 : i32
      %dma_start3A_18 = arith.constant 0 : i32
      %dma_start3A_19 = tpu.memref_slice %arg3[%add3A, %dma_start3A, %dma_start3A_18] : memref<32x160x128xi32, #tpu.memory_space<hbm>> -> memref<1x160x128xi32, #tpu.memory_space<hbm>>
      %dma_start3A_20 = tpu.memref_squeeze %dma_start3A_19 : memref<1x160x128xi32, #tpu.memory_space<hbm>> -> memref<160x128xi32, #tpu.memory_space<hbm>>
      %dma_start3A_21 = arith.constant 80 : i32
      %dma_start3A_22 = arith.constant 0 : i32
      %dma_start3A_23 = tpu.memref_slice %dma_start3A_20[%dma_start3A_21, %dma_start3A_22] : memref<160x128xi32, #tpu.memory_space<hbm>> -> memref<80x128xi32, #tpu.memory_space<hbm>>
      %dma_start3A_24 = arith.constant 0 : i32
      %dma_start3A_25 = arith.constant 0 : i32
      %dma_start3A_26 = tpu.memref_slice %arg3[%add3A, %dma_start3A_24, %dma_start3A_25] : memref<32x160x128xi32, #tpu.memory_space<hbm>> -> memref<1x160x128xi32, #tpu.memory_space<hbm>>
      %dma_start3A_27 = tpu.memref_squeeze %dma_start3A_26 : memref<1x160x128xi32, #tpu.memory_space<hbm>> -> memref<160x128xi32, #tpu.memory_space<hbm>>
      %dma_start3A_28 = arith.constant 80 : i32
      %dma_start3A_29 = arith.constant 0 : i32
      %dma_start3A_30 = tpu.memref_slice %dma_start3A_27[%dma_start3A_28, %dma_start3A_29] : memref<160x128xi32, #tpu.memory_space<hbm>> -> memref<80x128xi32, #tpu.memory_space<hbm>>
      tpu.enqueue_dma source(%dma_start3A_30 : memref<80x128xi32, #tpu.memory_space<hbm>>) target(%arg7 : memref<80x128xi32, #tpu.memory_space<vmem>>) target_semaphore(%run_scoped3A : memref<!tpu.dma_semaphore, #tpu.memory_space<semaphore_mem>>)
      %dma_wait3A = arith.constant 0 : i32
      %dma_wait3A_31 = arith.constant 0 : i32
      %dma_wait3A_32 = tpu.memref_slice %arg3[%add3A, %dma_wait3A, %dma_wait3A_31] : memref<32x160x128xi32, #tpu.memory_space<hbm>> -> memref<1x160x128xi32, #tpu.memory_space<hbm>>
      %dma_wait3A_33 = tpu.memref_squeeze %dma_wait3A_32 : memref<1x160x128xi32, #tpu.memory_space<hbm>> -> memref<160x128xi32, #tpu.memory_space<hbm>>
      %dma_wait3A_34 = arith.constant 80 : i32
      %dma_wait3A_35 = arith.constant 0 : i32
      %dma_wait3A_36 = tpu.memref_slice %dma_wait3A_33[%dma_wait3A_34, %dma_wait3A_35] : memref<160x128xi32, #tpu.memory_space<hbm>> -> memref<80x128xi32, #tpu.memory_space<hbm>>
      %dma_wait3A_37 = arith.constant 0 : i32
      %dma_wait3A_38 = arith.constant 0 : i32
      %dma_wait3A_39 = tpu.memref_slice %arg3[%add3A, %dma_wait3A_37, %dma_wait3A_38] : memref<32x160x128xi32, #tpu.memory_space<hbm>> -> memref<1x160x128xi32, #tpu.memory_space<hbm>>
      %dma_wait3A_40 = tpu.memref_squeeze %dma_wait3A_39 : memref<1x160x128xi32, #tpu.memory_space<hbm>> -> memref<160x128xi32, #tpu.memory_space<hbm>>
      %dma_wait3A_41 = arith.constant 80 : i32
      %dma_wait3A_42 = arith.constant 0 : i32
      %dma_wait3A_43 = tpu.memref_slice %dma_wait3A_40[%dma_wait3A_41, %dma_wait3A_42] : memref<160x128xi32, #tpu.memory_space<hbm>> -> memref<80x128xi32, #tpu.memory_space<hbm>>
      tpu.wait_dma2 semaphore(%run_scoped3A : memref<!tpu.dma_semaphore, #tpu.memory_space<semaphore_mem>>) src(%dma_wait3A_43 : memref<80x128xi32, #tpu.memory_space<hbm>>) dst(%arg7 : memref<80x128xi32, #tpu.memory_space<vmem>>)
      tpu.yield
    }) : () -> ()
    %scan3A_8 = arith.constant 0 : i32
    %scan3A_9 = arith.constant 0 : i32
    %scan3A_10 = arith.constant 20 : i32
    %scan3A_11 = arith.addi %scan3A_9, %scan3A_10 : i32
    %scan3A_12 = arith.constant 1 : i32
    scf.for %scan3A_18 = %scan3A_9 to %scan3A_11 step %scan3A_12  : i32 {
      %mul3A_19 = arith.constant 4 : i32
      %mul3A_20 = arith.muli %mul3A_19, %scan3A_18 : i32
      %sub3A = arith.constant 1 : i32
      %sub3A_21 = arith.subi %scan3A_18, %sub3A : i32
      %mul3A_22 = arith.constant 4 : i32
      %mul3A_23 = arith.muli %mul3A_22, %sub3A_21 : i32
      %gt3A = arith.constant 0 : i32
      %gt3A_24 = arith.cmpi sgt, %scan3A_18, %gt3A : i32
      %convert_element_type3A = arith.extui %gt3A_24 : i1 to i32
      %cond3A = arith.constant 0 : i32
      %cond3A_25 = arith.cmpi ne, %convert_element_type3A, %cond3A : i32
      scf.if %cond3A_25 {
      } else {
      }
      %dma_start3A = arith.constant 0 : i32
      %dma_start3A_26 = tpu.memref_slice %arg7[%mul3A_20, %dma_start3A] : memref<80x128xi32, #tpu.memory_space<vmem>> -> memref<1x128xi32, #tpu.memory_space<vmem>>
      %dma_start3A_27 = tpu.memref_squeeze %dma_start3A_26 : memref<1x128xi32, #tpu.memory_space<vmem>> -> memref<128xi32, #tpu.memory_space<vmem>>
      %dma_start3A_28 = arith.constant 0 : i32
      %dma_start3A_29 = arith.constant 0 : i32
      %dma_start3A_30 = tpu.memref_slice %arg2[%dma_start3A_28, %dma_start3A_29] : memref<10000x128xf32, #tpu.memory_space<hbm>> -> memref<10000x128xf32, #tpu.memory_space<hbm>>
      tpu.enqueue_indirect_dma source(%dma_start3A_30 : memref<10000x128xf32, #tpu.memory_space<hbm>>) target(%arg8 : memref<128x128xf32, #tpu.memory_space<vmem>>) offsets(%dma_start3A_27 : memref<128xi32, #tpu.memory_space<vmem>>) semaphore(%arg10 : memref<!tpu.dma_semaphore, #tpu.memory_space<semaphore_mem>>)
      %gt3A_31 = arith.constant 0 : i32
      %gt3A_32 = arith.cmpi sgt, %scan3A_18, %gt3A_31 : i32
      %convert_element_type3A_33 = arith.extui %gt3A_32 : i1 to i32
      %cond3A_34 = arith.constant 0 : i32
      %cond3A_35 = arith.cmpi ne, %convert_element_type3A_33, %cond3A_34 : i32
      scf.if %cond3A_35 {
      } else {
      }
      %add3A_36 = arith.constant 2 : i32
      %add3A_37 = arith.addi %mul3A_20, %add3A_36 : i32
      %dma_start3A_38 = arith.constant 0 : i32
      %dma_start3A_39 = tpu.memref_slice %arg7[%add3A_37, %dma_start3A_38] : memref<80x128xi32, #tpu.memory_space<vmem>> -> memref<1x128xi32, #tpu.memory_space<vmem>>
      %dma_start3A_40 = tpu.memref_squeeze %dma_start3A_39 : memref<1x128xi32, #tpu.memory_space<vmem>> -> memref<128xi32, #tpu.memory_space<vmem>>
      %dma_start3A_41 = arith.constant 0 : i32
      %dma_start3A_42 = arith.constant 0 : i32
      %dma_start3A_43 = tpu.memref_slice %arg2[%dma_start3A_41, %dma_start3A_42] : memref<10000x128xf32, #tpu.memory_space<hbm>> -> memref<10000x128xf32, #tpu.memory_space<hbm>>
      tpu.enqueue_indirect_dma source(%dma_start3A_43 : memref<10000x128xf32, #tpu.memory_space<hbm>>) target(%arg9 : memref<128x128xf32, #tpu.memory_space<vmem>>) offsets(%dma_start3A_40 : memref<128xi32, #tpu.memory_space<vmem>>) semaphore(%arg11 : memref<!tpu.dma_semaphore, #tpu.memory_space<semaphore_mem>>)
      %dma_wait3A = arith.constant 0 : i32
      %dma_wait3A_44 = tpu.memref_slice %arg7[%mul3A_20, %dma_wait3A] : memref<80x128xi32, #tpu.memory_space<vmem>> -> memref<1x128xi32, #tpu.memory_space<vmem>>
      %dma_wait3A_45 = tpu.memref_squeeze %dma_wait3A_44 : memref<1x128xi32, #tpu.memory_space<vmem>> -> memref<128xi32, #tpu.memory_space<vmem>>
      %dma_wait3A_46 = arith.constant 0 : i32
      %dma_wait3A_47 = arith.constant 0 : i32
      %dma_wait3A_48 = tpu.memref_slice %arg2[%dma_wait3A_46, %dma_wait3A_47] : memref<10000x128xf32, #tpu.memory_space<hbm>> -> memref<10000x128xf32, #tpu.memory_space<hbm>>
      tpu.wait_indirect_dma semaphore(%arg10 : memref<!tpu.dma_semaphore, #tpu.memory_space<semaphore_mem>>) src(%dma_wait3A_48 : memref<10000x128xf32, #tpu.memory_space<hbm>>) dst(%arg8 : memref<128x128xf32, #tpu.memory_space<vmem>>)
      %dma_wait3A_49 = arith.constant 0 : i32
      %dma_wait3A_50 = tpu.memref_slice %arg7[%add3A_37, %dma_wait3A_49] : memref<80x128xi32, #tpu.memory_space<vmem>> -> memref<1x128xi32, #tpu.memory_space<vmem>>
      %dma_wait3A_51 = tpu.memref_squeeze %dma_wait3A_50 : memref<1x128xi32, #tpu.memory_space<vmem>> -> memref<128xi32, #tpu.memory_space<vmem>>
      %dma_wait3A_52 = arith.constant 0 : i32
      %dma_wait3A_53 = arith.constant 0 : i32
      %dma_wait3A_54 = tpu.memref_slice %arg2[%dma_wait3A_52, %dma_wait3A_53] : memref<10000x128xf32, #tpu.memory_space<hbm>> -> memref<10000x128xf32, #tpu.memory_space<hbm>>
      tpu.wait_indirect_dma semaphore(%arg11 : memref<!tpu.dma_semaphore, #tpu.memory_space<semaphore_mem>>) src(%dma_wait3A_54 : memref<10000x128xf32, #tpu.memory_space<hbm>>) dst(%arg9 : memref<128x128xf32, #tpu.memory_space<vmem>>)
    }
    %scan3A_13 = arith.constant 20 : i32
    %barrier3A_14 = arith.constant 0 : index
    tpu.barrier barrier_id(%barrier3A_14)
    %mul3A_15 = arith.constant 10240 : i32
    %mul3A_16 = arith.muli %arg0, %mul3A_15 : i32
    %add3A_17 = arith.addi %mul3A_16, %mul3A_2 : i32
    "tpu.region"() ({
      %run_scoped3A = tpu.sem_alloc : memref<!tpu.dma_semaphore, #tpu.memory_space<semaphore_mem>>
      %dma_start3A = arith.constant 0 : i32
      %dma_start3A_18 = tpu.memref_slice %arg5[%add3A_17, %dma_start3A] : memref<20480x128xf32, #tpu.memory_space<hbm>> -> memref<640x128xf32, #tpu.memory_space<hbm>>
      %dma_start3A_19 = arith.constant 0 : i32
      %dma_start3A_20 = tpu.memref_slice %arg6[%mul3A_2, %dma_start3A_19] : memref<10240x128xf32, #tpu.memory_space<vmem_shared>> -> memref<640x128xf32, #tpu.memory_space<vmem_shared>>
      tpu.enqueue_dma source(%dma_start3A_20 : memref<640x128xf32, #tpu.memory_space<vmem_shared>>) target(%dma_start3A_18 : memref<640x128xf32, #tpu.memory_space<hbm>>) target_semaphore(%run_scoped3A : memref<!tpu.dma_semaphore, #tpu.memory_space<semaphore_mem>>)
      %dma_wait3A = arith.constant 0 : i32
      %dma_wait3A_21 = tpu.memref_slice %arg5[%add3A_17, %dma_wait3A] : memref<20480x128xf32, #tpu.memory_space<hbm>> -> memref<640x128xf32, #tpu.memory_space<hbm>>
      %dma_wait3A_22 = arith.constant 0 : i32
      %dma_wait3A_23 = tpu.memref_slice %arg6[%mul3A_2, %dma_wait3A_22] : memref<10240x128xf32, #tpu.memory_space<vmem_shared>> -> memref<640x128xf32, #tpu.memory_space<vmem_shared>>
      tpu.wait_dma2 semaphore(%run_scoped3A : memref<!tpu.dma_semaphore, #tpu.memory_space<semaphore_mem>>) src(%dma_wait3A_23 : memref<640x128xf32, #tpu.memory_space<vmem_shared>>) dst(%dma_wait3A_21 : memref<640x128xf32, #tpu.memory_space<hbm>>)
      tpu.yield
    }) : () -> ()
    return
  }
}

#map = affine_map<(d0, d1) -> (0, 0)>
#map1 = affine_map<(d0, d1) -> (0, 0, 0)>
module attributes {stable_mosaic.version = 14 : i64} {
  func.func @_sc_agg_body(%arg0: i32, %arg1: i32, %arg2: memref<10000x128xf32, #tpu.memory_space<hbm>>, %arg3: memref<32x160x128xi32, #tpu.memory_space<hbm>>, %arg4: memref<10240x128xf32, #tpu.memory_space<hbm>>, %arg5: memref<20480x128xf32, #tpu.memory_space<hbm>>, %arg6: memref<10240x128xf32, #tpu.memory_space<vmem_shared>>, %arg7: memref<80x128xi32, #tpu.memory_space<vmem>>, %arg8: memref<128x128xf32, #tpu.memory_space<vmem>>, %arg9: memref<128x128xf32, #tpu.memory_space<vmem>>, %arg10: memref<!tpu.dma_semaphore, #tpu.memory_space<semaphore_mem>>, %arg11: memref<!tpu.dma_semaphore, #tpu.memory_space<semaphore_mem>>, %arg12: memref<!tpu.dma_semaphore, #tpu.memory_space<semaphore_mem>>, %arg13: memref<!tpu.dma_semaphore, #tpu.memory_space<semaphore_mem>>) attributes {dimension_semantics = [#tpu.dimension_semantics<core_parallel>, #tpu.dimension_semantics<subcore_parallel>], iteration_bounds = array<i64: 2, 16>, scalar_prefetch = 0 : i64, scratch_operands = 8 : i64, tpu.core_type = #tpu.core_type<sc_vector_subcore>, window_params = [{transform_indices = #map}, {transform_indices = #map1}, {transform_indices = #map}, {transform_indices = #map}]} {
    %mul3A = arith.constant 2 : i32
    %mul3A_0 = arith.muli %arg1, %mul3A : i32
    %add3A = arith.addi %mul3A_0, %arg0 : i32
    %mul3A_1 = arith.constant 640 : i32
    %mul3A_2 = arith.muli %arg1, %mul3A_1 : i32
    "tpu.region"() ({
      %run_scoped3A = tpu.sem_alloc : memref<!tpu.dma_semaphore, #tpu.memory_space<semaphore_mem>>
      %dma_start3A = arith.constant 0 : i32
      %dma_start3A_18 = tpu.memref_slice %arg6[%mul3A_2, %dma_start3A] : memref<10240x128xf32, #tpu.memory_space<vmem_shared>> -> memref<640x128xf32, #tpu.memory_space<vmem_shared>>
      %dma_start3A_19 = arith.constant 0 : i32
      %dma_start3A_20 = tpu.memref_slice %arg4[%mul3A_2, %dma_start3A_19] : memref<10240x128xf32, #tpu.memory_space<hbm>> -> memref<640x128xf32, #tpu.memory_space<hbm>>
      tpu.enqueue_dma source(%dma_start3A_20 : memref<640x128xf32, #tpu.memory_space<hbm>>) target(%dma_start3A_18 : memref<640x128xf32, #tpu.memory_space<vmem_shared>>) target_semaphore(%run_scoped3A : memref<!tpu.dma_semaphore, #tpu.memory_space<semaphore_mem>>)
      %dma_wait3A = arith.constant 0 : i32
      %dma_wait3A_21 = tpu.memref_slice %arg6[%mul3A_2, %dma_wait3A] : memref<10240x128xf32, #tpu.memory_space<vmem_shared>> -> memref<640x128xf32, #tpu.memory_space<vmem_shared>>
      %dma_wait3A_22 = arith.constant 0 : i32
      %dma_wait3A_23 = tpu.memref_slice %arg4[%mul3A_2, %dma_wait3A_22] : memref<10240x128xf32, #tpu.memory_space<hbm>> -> memref<640x128xf32, #tpu.memory_space<hbm>>
      tpu.wait_dma2 semaphore(%run_scoped3A : memref<!tpu.dma_semaphore, #tpu.memory_space<semaphore_mem>>) src(%dma_wait3A_23 : memref<640x128xf32, #tpu.memory_space<hbm>>) dst(%dma_wait3A_21 : memref<640x128xf32, #tpu.memory_space<vmem_shared>>)
      tpu.yield
    }) : () -> ()
    %barrier3A = arith.constant 0 : index
    tpu.barrier barrier_id(%barrier3A)
    "tpu.region"() ({
      %run_scoped3A = tpu.sem_alloc : memref<!tpu.dma_semaphore, #tpu.memory_space<semaphore_mem>>
      %dma_start3A = arith.constant 0 : i32
      %dma_start3A_18 = arith.constant 0 : i32
      %dma_start3A_19 = tpu.memref_slice %arg3[%add3A, %dma_start3A, %dma_start3A_18] : memref<32x160x128xi32, #tpu.memory_space<hbm>> -> memref<1x160x128xi32, #tpu.memory_space<hbm>>
      %dma_start3A_20 = tpu.memref_squeeze %dma_start3A_19 : memref<1x160x128xi32, #tpu.memory_space<hbm>> -> memref<160x128xi32, #tpu.memory_space<hbm>>
      %dma_start3A_21 = arith.constant 0 : i32
      %dma_start3A_22 = arith.constant 0 : i32
      %dma_start3A_23 = tpu.memref_slice %dma_start3A_20[%dma_start3A_21, %dma_start3A_22] : memref<160x128xi32, #tpu.memory_space<hbm>> -> memref<80x128xi32, #tpu.memory_space<hbm>>
      %dma_start3A_24 = arith.constant 0 : i32
      %dma_start3A_25 = arith.constant 0 : i32
      %dma_start3A_26 = tpu.memref_slice %arg3[%add3A, %dma_start3A_24, %dma_start3A_25] : memref<32x160x128xi32, #tpu.memory_space<hbm>> -> memref<1x160x128xi32, #tpu.memory_space<hbm>>
      %dma_start3A_27 = tpu.memref_squeeze %dma_start3A_26 : memref<1x160x128xi32, #tpu.memory_space<hbm>> -> memref<160x128xi32, #tpu.memory_space<hbm>>
      %dma_start3A_28 = arith.constant 0 : i32
      %dma_start3A_29 = arith.constant 0 : i32
      %dma_start3A_30 = tpu.memref_slice %dma_start3A_27[%dma_start3A_28, %dma_start3A_29] : memref<160x128xi32, #tpu.memory_space<hbm>> -> memref<80x128xi32, #tpu.memory_space<hbm>>
      tpu.enqueue_dma source(%dma_start3A_30 : memref<80x128xi32, #tpu.memory_space<hbm>>) target(%arg7 : memref<80x128xi32, #tpu.memory_space<vmem>>) target_semaphore(%run_scoped3A : memref<!tpu.dma_semaphore, #tpu.memory_space<semaphore_mem>>)
      %dma_wait3A = arith.constant 0 : i32
      %dma_wait3A_31 = arith.constant 0 : i32
      %dma_wait3A_32 = tpu.memref_slice %arg3[%add3A, %dma_wait3A, %dma_wait3A_31] : memref<32x160x128xi32, #tpu.memory_space<hbm>> -> memref<1x160x128xi32, #tpu.memory_space<hbm>>
      %dma_wait3A_33 = tpu.memref_squeeze %dma_wait3A_32 : memref<1x160x128xi32, #tpu.memory_space<hbm>> -> memref<160x128xi32, #tpu.memory_space<hbm>>
      %dma_wait3A_34 = arith.constant 0 : i32
      %dma_wait3A_35 = arith.constant 0 : i32
      %dma_wait3A_36 = tpu.memref_slice %dma_wait3A_33[%dma_wait3A_34, %dma_wait3A_35] : memref<160x128xi32, #tpu.memory_space<hbm>> -> memref<80x128xi32, #tpu.memory_space<hbm>>
      %dma_wait3A_37 = arith.constant 0 : i32
      %dma_wait3A_38 = arith.constant 0 : i32
      %dma_wait3A_39 = tpu.memref_slice %arg3[%add3A, %dma_wait3A_37, %dma_wait3A_38] : memref<32x160x128xi32, #tpu.memory_space<hbm>> -> memref<1x160x128xi32, #tpu.memory_space<hbm>>
      %dma_wait3A_40 = tpu.memref_squeeze %dma_wait3A_39 : memref<1x160x128xi32, #tpu.memory_space<hbm>> -> memref<160x128xi32, #tpu.memory_space<hbm>>
      %dma_wait3A_41 = arith.constant 0 : i32
      %dma_wait3A_42 = arith.constant 0 : i32
      %dma_wait3A_43 = tpu.memref_slice %dma_wait3A_40[%dma_wait3A_41, %dma_wait3A_42] : memref<160x128xi32, #tpu.memory_space<hbm>> -> memref<80x128xi32, #tpu.memory_space<hbm>>
      tpu.wait_dma2 semaphore(%run_scoped3A : memref<!tpu.dma_semaphore, #tpu.memory_space<semaphore_mem>>) src(%dma_wait3A_43 : memref<80x128xi32, #tpu.memory_space<hbm>>) dst(%arg7 : memref<80x128xi32, #tpu.memory_space<vmem>>)
      tpu.yield
    }) : () -> ()
    %scan3A = arith.constant 0 : i32
    %scan3A_3 = arith.constant 0 : i32
    %scan3A_4 = arith.constant 20 : i32
    %scan3A_5 = arith.addi %scan3A_3, %scan3A_4 : i32
    %scan3A_6 = arith.constant 1 : i32
    scf.for %scan3A_18 = %scan3A_3 to %scan3A_5 step %scan3A_6  : i32 {
      %mul3A_19 = arith.constant 4 : i32
      %mul3A_20 = arith.muli %mul3A_19, %scan3A_18 : i32
      %sub3A = arith.constant 1 : i32
      %sub3A_21 = arith.subi %scan3A_18, %sub3A : i32
      %mul3A_22 = arith.constant 4 : i32
      %mul3A_23 = arith.muli %mul3A_22, %sub3A_21 : i32
      %gt3A = arith.constant 0 : i32
      %gt3A_24 = arith.cmpi sgt, %scan3A_18, %gt3A : i32
      %convert_element_type3A = arith.extui %gt3A_24 : i1 to i32
      %cond3A = arith.constant 0 : i32
      %cond3A_25 = arith.cmpi ne, %convert_element_type3A, %cond3A : i32
      scf.if %cond3A_25 {
      } else {
      }
      %dma_start3A = arith.constant 0 : i32
      %dma_start3A_26 = tpu.memref_slice %arg7[%mul3A_20, %dma_start3A] : memref<80x128xi32, #tpu.memory_space<vmem>> -> memref<1x128xi32, #tpu.memory_space<vmem>>
      %dma_start3A_27 = tpu.memref_squeeze %dma_start3A_26 : memref<1x128xi32, #tpu.memory_space<vmem>> -> memref<128xi32, #tpu.memory_space<vmem>>
      %dma_start3A_28 = arith.constant 0 : i32
      %dma_start3A_29 = arith.constant 0 : i32
      %dma_start3A_30 = tpu.memref_slice %arg2[%dma_start3A_28, %dma_start3A_29] : memref<10000x128xf32, #tpu.memory_space<hbm>> -> memref<10000x128xf32, #tpu.memory_space<hbm>>
      tpu.enqueue_indirect_dma source(%dma_start3A_30 : memref<10000x128xf32, #tpu.memory_space<hbm>>) target(%arg8 : memref<128x128xf32, #tpu.memory_space<vmem>>) offsets(%dma_start3A_27 : memref<128xi32, #tpu.memory_space<vmem>>) semaphore(%arg10 : memref<!tpu.dma_semaphore, #tpu.memory_space<semaphore_mem>>)
      %gt3A_31 = arith.constant 0 : i32
      %gt3A_32 = arith.cmpi sgt, %scan3A_18, %gt3A_31 : i32
      %convert_element_type3A_33 = arith.extui %gt3A_32 : i1 to i32
      %cond3A_34 = arith.constant 0 : i32
      %cond3A_35 = arith.cmpi ne, %convert_element_type3A_33, %cond3A_34 : i32
      scf.if %cond3A_35 {
      } else {
      }
      %add3A_36 = arith.constant 2 : i32
      %add3A_37 = arith.addi %mul3A_20, %add3A_36 : i32
      %dma_start3A_38 = arith.constant 0 : i32
      %dma_start3A_39 = tpu.memref_slice %arg7[%add3A_37, %dma_start3A_38] : memref<80x128xi32, #tpu.memory_space<vmem>> -> memref<1x128xi32, #tpu.memory_space<vmem>>
      %dma_start3A_40 = tpu.memref_squeeze %dma_start3A_39 : memref<1x128xi32, #tpu.memory_space<vmem>> -> memref<128xi32, #tpu.memory_space<vmem>>
      %dma_start3A_41 = arith.constant 0 : i32
      %dma_start3A_42 = arith.constant 0 : i32
      %dma_start3A_43 = tpu.memref_slice %arg2[%dma_start3A_41, %dma_start3A_42] : memref<10000x128xf32, #tpu.memory_space<hbm>> -> memref<10000x128xf32, #tpu.memory_space<hbm>>
      tpu.enqueue_indirect_dma source(%dma_start3A_43 : memref<10000x128xf32, #tpu.memory_space<hbm>>) target(%arg9 : memref<128x128xf32, #tpu.memory_space<vmem>>) offsets(%dma_start3A_40 : memref<128xi32, #tpu.memory_space<vmem>>) semaphore(%arg11 : memref<!tpu.dma_semaphore, #tpu.memory_space<semaphore_mem>>)
      %dma_wait3A = arith.constant 0 : i32
      %dma_wait3A_44 = tpu.memref_slice %arg7[%mul3A_20, %dma_wait3A] : memref<80x128xi32, #tpu.memory_space<vmem>> -> memref<1x128xi32, #tpu.memory_space<vmem>>
      %dma_wait3A_45 = tpu.memref_squeeze %dma_wait3A_44 : memref<1x128xi32, #tpu.memory_space<vmem>> -> memref<128xi32, #tpu.memory_space<vmem>>
      %dma_wait3A_46 = arith.constant 0 : i32
      %dma_wait3A_47 = arith.constant 0 : i32
      %dma_wait3A_48 = tpu.memref_slice %arg2[%dma_wait3A_46, %dma_wait3A_47] : memref<10000x128xf32, #tpu.memory_space<hbm>> -> memref<10000x128xf32, #tpu.memory_space<hbm>>
      tpu.wait_indirect_dma semaphore(%arg10 : memref<!tpu.dma_semaphore, #tpu.memory_space<semaphore_mem>>) src(%dma_wait3A_48 : memref<10000x128xf32, #tpu.memory_space<hbm>>) dst(%arg8 : memref<128x128xf32, #tpu.memory_space<vmem>>)
      %dma_wait3A_49 = arith.constant 0 : i32
      %dma_wait3A_50 = tpu.memref_slice %arg7[%add3A_37, %dma_wait3A_49] : memref<80x128xi32, #tpu.memory_space<vmem>> -> memref<1x128xi32, #tpu.memory_space<vmem>>
      %dma_wait3A_51 = tpu.memref_squeeze %dma_wait3A_50 : memref<1x128xi32, #tpu.memory_space<vmem>> -> memref<128xi32, #tpu.memory_space<vmem>>
      %dma_wait3A_52 = arith.constant 0 : i32
      %dma_wait3A_53 = arith.constant 0 : i32
      %dma_wait3A_54 = tpu.memref_slice %arg2[%dma_wait3A_52, %dma_wait3A_53] : memref<10000x128xf32, #tpu.memory_space<hbm>> -> memref<10000x128xf32, #tpu.memory_space<hbm>>
      tpu.wait_indirect_dma semaphore(%arg11 : memref<!tpu.dma_semaphore, #tpu.memory_space<semaphore_mem>>) src(%dma_wait3A_54 : memref<10000x128xf32, #tpu.memory_space<hbm>>) dst(%arg9 : memref<128x128xf32, #tpu.memory_space<vmem>>)
    }
    %scan3A_7 = arith.constant 20 : i32
    "tpu.region"() ({
      %run_scoped3A = tpu.sem_alloc : memref<!tpu.dma_semaphore, #tpu.memory_space<semaphore_mem>>
      %dma_start3A = arith.constant 0 : i32
      %dma_start3A_18 = arith.constant 0 : i32
      %dma_start3A_19 = tpu.memref_slice %arg3[%add3A, %dma_start3A, %dma_start3A_18] : memref<32x160x128xi32, #tpu.memory_space<hbm>> -> memref<1x160x128xi32, #tpu.memory_space<hbm>>
      %dma_start3A_20 = tpu.memref_squeeze %dma_start3A_19 : memref<1x160x128xi32, #tpu.memory_space<hbm>> -> memref<160x128xi32, #tpu.memory_space<hbm>>
      %dma_start3A_21 = arith.constant 80 : i32
      %dma_start3A_22 = arith.constant 0 : i32
      %dma_start3A_23 = tpu.memref_slice %dma_start3A_20[%dma_start3A_21, %dma_start3A_22] : memref<160x128xi32, #tpu.memory_space<hbm>> -> memref<80x128xi32, #tpu.memory_space<hbm>>
      %dma_start3A_24 = arith.constant 0 : i32
      %dma_start3A_25 = arith.constant 0 : i32
      %dma_start3A_26 = tpu.memref_slice %arg3[%add3A, %dma_start3A_24, %dma_start3A_25] : memref<32x160x128xi32, #tpu.memory_space<hbm>> -> memref<1x160x128xi32, #tpu.memory_space<hbm>>
      %dma_start3A_27 = tpu.memref_squeeze %dma_start3A_26 : memref<1x160x128xi32, #tpu.memory_space<hbm>> -> memref<160x128xi32, #tpu.memory_space<hbm>>
      %dma_start3A_28 = arith.constant 80 : i32
      %dma_start3A_29 = arith.constant 0 : i32
      %dma_start3A_30 = tpu.memref_slice %dma_start3A_27[%dma_start3A_28, %dma_start3A_29] : memref<160x128xi32, #tpu.memory_space<hbm>> -> memref<80x128xi32, #tpu.memory_space<hbm>>
      tpu.enqueue_dma source(%dma_start3A_30 : memref<80x128xi32, #tpu.memory_space<hbm>>) target(%arg7 : memref<80x128xi32, #tpu.memory_space<vmem>>) target_semaphore(%run_scoped3A : memref<!tpu.dma_semaphore, #tpu.memory_space<semaphore_mem>>)
      %dma_wait3A = arith.constant 0 : i32
      %dma_wait3A_31 = arith.constant 0 : i32
      %dma_wait3A_32 = tpu.memref_slice %arg3[%add3A, %dma_wait3A, %dma_wait3A_31] : memref<32x160x128xi32, #tpu.memory_space<hbm>> -> memref<1x160x128xi32, #tpu.memory_space<hbm>>
      %dma_wait3A_33 = tpu.memref_squeeze %dma_wait3A_32 : memref<1x160x128xi32, #tpu.memory_space<hbm>> -> memref<160x128xi32, #tpu.memory_space<hbm>>
      %dma_wait3A_34 = arith.constant 80 : i32
      %dma_wait3A_35 = arith.constant 0 : i32
      %dma_wait3A_36 = tpu.memref_slice %dma_wait3A_33[%dma_wait3A_34, %dma_wait3A_35] : memref<160x128xi32, #tpu.memory_space<hbm>> -> memref<80x128xi32, #tpu.memory_space<hbm>>
      %dma_wait3A_37 = arith.constant 0 : i32
      %dma_wait3A_38 = arith.constant 0 : i32
      %dma_wait3A_39 = tpu.memref_slice %arg3[%add3A, %dma_wait3A_37, %dma_wait3A_38] : memref<32x160x128xi32, #tpu.memory_space<hbm>> -> memref<1x160x128xi32, #tpu.memory_space<hbm>>
      %dma_wait3A_40 = tpu.memref_squeeze %dma_wait3A_39 : memref<1x160x128xi32, #tpu.memory_space<hbm>> -> memref<160x128xi32, #tpu.memory_space<hbm>>
      %dma_wait3A_41 = arith.constant 80 : i32
      %dma_wait3A_42 = arith.constant 0 : i32
      %dma_wait3A_43 = tpu.memref_slice %dma_wait3A_40[%dma_wait3A_41, %dma_wait3A_42] : memref<160x128xi32, #tpu.memory_space<hbm>> -> memref<80x128xi32, #tpu.memory_space<hbm>>
      tpu.wait_dma2 semaphore(%run_scoped3A : memref<!tpu.dma_semaphore, #tpu.memory_space<semaphore_mem>>) src(%dma_wait3A_43 : memref<80x128xi32, #tpu.memory_space<hbm>>) dst(%arg7 : memref<80x128xi32, #tpu.memory_space<vmem>>)
      tpu.yield
    }) : () -> ()
    %scan3A_8 = arith.constant 0 : i32
    %scan3A_9 = arith.constant 0 : i32
    %scan3A_10 = arith.constant 20 : i32
    %scan3A_11 = arith.addi %scan3A_9, %scan3A_10 : i32
    %scan3A_12 = arith.constant 1 : i32
    scf.for %scan3A_18 = %scan3A_9 to %scan3A_11 step %scan3A_12  : i32 {
      %mul3A_19 = arith.constant 4 : i32
      %mul3A_20 = arith.muli %mul3A_19, %scan3A_18 : i32
      %sub3A = arith.constant 1 : i32
      %sub3A_21 = arith.subi %scan3A_18, %sub3A : i32
      %mul3A_22 = arith.constant 4 : i32
      %mul3A_23 = arith.muli %mul3A_22, %sub3A_21 : i32
      %gt3A = arith.constant 0 : i32
      %gt3A_24 = arith.cmpi sgt, %scan3A_18, %gt3A : i32
      %convert_element_type3A = arith.extui %gt3A_24 : i1 to i32
      %cond3A = arith.constant 0 : i32
      %cond3A_25 = arith.cmpi ne, %convert_element_type3A, %cond3A : i32
      scf.if %cond3A_25 {
      } else {
      }
      %dma_start3A = arith.constant 0 : i32
      %dma_start3A_26 = tpu.memref_slice %arg7[%mul3A_20, %dma_start3A] : memref<80x128xi32, #tpu.memory_space<vmem>> -> memref<1x128xi32, #tpu.memory_space<vmem>>
      %dma_start3A_27 = tpu.memref_squeeze %dma_start3A_26 : memref<1x128xi32, #tpu.memory_space<vmem>> -> memref<128xi32, #tpu.memory_space<vmem>>
      %dma_start3A_28 = arith.constant 0 : i32
      %dma_start3A_29 = arith.constant 0 : i32
      %dma_start3A_30 = tpu.memref_slice %arg2[%dma_start3A_28, %dma_start3A_29] : memref<10000x128xf32, #tpu.memory_space<hbm>> -> memref<10000x128xf32, #tpu.memory_space<hbm>>
      tpu.enqueue_indirect_dma source(%dma_start3A_30 : memref<10000x128xf32, #tpu.memory_space<hbm>>) target(%arg8 : memref<128x128xf32, #tpu.memory_space<vmem>>) offsets(%dma_start3A_27 : memref<128xi32, #tpu.memory_space<vmem>>) semaphore(%arg10 : memref<!tpu.dma_semaphore, #tpu.memory_space<semaphore_mem>>)
      %gt3A_31 = arith.constant 0 : i32
      %gt3A_32 = arith.cmpi sgt, %scan3A_18, %gt3A_31 : i32
      %convert_element_type3A_33 = arith.extui %gt3A_32 : i1 to i32
      %cond3A_34 = arith.constant 0 : i32
      %cond3A_35 = arith.cmpi ne, %convert_element_type3A_33, %cond3A_34 : i32
      scf.if %cond3A_35 {
      } else {
      }
      %add3A_36 = arith.constant 2 : i32
      %add3A_37 = arith.addi %mul3A_20, %add3A_36 : i32
      %dma_start3A_38 = arith.constant 0 : i32
      %dma_start3A_39 = tpu.memref_slice %arg7[%add3A_37, %dma_start3A_38] : memref<80x128xi32, #tpu.memory_space<vmem>> -> memref<1x128xi32, #tpu.memory_space<vmem>>
      %dma_start3A_40 = tpu.memref_squeeze %dma_start3A_39 : memref<1x128xi32, #tpu.memory_space<vmem>> -> memref<128xi32, #tpu.memory_space<vmem>>
      %dma_start3A_41 = arith.constant 0 : i32
      %dma_start3A_42 = arith.constant 0 : i32
      %dma_start3A_43 = tpu.memref_slice %arg2[%dma_start3A_41, %dma_start3A_42] : memref<10000x128xf32, #tpu.memory_space<hbm>> -> memref<10000x128xf32, #tpu.memory_space<hbm>>
      tpu.enqueue_indirect_dma source(%dma_start3A_43 : memref<10000x128xf32, #tpu.memory_space<hbm>>) target(%arg9 : memref<128x128xf32, #tpu.memory_space<vmem>>) offsets(%dma_start3A_40 : memref<128xi32, #tpu.memory_space<vmem>>) semaphore(%arg11 : memref<!tpu.dma_semaphore, #tpu.memory_space<semaphore_mem>>)
      %dma_wait3A = arith.constant 0 : i32
      %dma_wait3A_44 = tpu.memref_slice %arg7[%mul3A_20, %dma_wait3A] : memref<80x128xi32, #tpu.memory_space<vmem>> -> memref<1x128xi32, #tpu.memory_space<vmem>>
      %dma_wait3A_45 = tpu.memref_squeeze %dma_wait3A_44 : memref<1x128xi32, #tpu.memory_space<vmem>> -> memref<128xi32, #tpu.memory_space<vmem>>
      %dma_wait3A_46 = arith.constant 0 : i32
      %dma_wait3A_47 = arith.constant 0 : i32
      %dma_wait3A_48 = tpu.memref_slice %arg2[%dma_wait3A_46, %dma_wait3A_47] : memref<10000x128xf32, #tpu.memory_space<hbm>> -> memref<10000x128xf32, #tpu.memory_space<hbm>>
      tpu.wait_indirect_dma semaphore(%arg10 : memref<!tpu.dma_semaphore, #tpu.memory_space<semaphore_mem>>) src(%dma_wait3A_48 : memref<10000x128xf32, #tpu.memory_space<hbm>>) dst(%arg8 : memref<128x128xf32, #tpu.memory_space<vmem>>)
      %dma_wait3A_49 = arith.constant 0 : i32
      %dma_wait3A_50 = tpu.memref_slice %arg7[%add3A_37, %dma_wait3A_49] : memref<80x128xi32, #tpu.memory_space<vmem>> -> memref<1x128xi32, #tpu.memory_space<vmem>>
      %dma_wait3A_51 = tpu.memref_squeeze %dma_wait3A_50 : memref<1x128xi32, #tpu.memory_space<vmem>> -> memref<128xi32, #tpu.memory_space<vmem>>
      %dma_wait3A_52 = arith.constant 0 : i32
      %dma_wait3A_53 = arith.constant 0 : i32
      %dma_wait3A_54 = tpu.memref_slice %arg2[%dma_wait3A_52, %dma_wait3A_53] : memref<10000x128xf32, #tpu.memory_space<hbm>> -> memref<10000x128xf32, #tpu.memory_space<hbm>>
      tpu.wait_indirect_dma semaphore(%arg11 : memref<!tpu.dma_semaphore, #tpu.memory_space<semaphore_mem>>) src(%dma_wait3A_54 : memref<10000x128xf32, #tpu.memory_space<hbm>>) dst(%arg9 : memref<128x128xf32, #tpu.memory_space<vmem>>)
    }
    %scan3A_13 = arith.constant 20 : i32
    %barrier3A_14 = arith.constant 0 : index
    tpu.barrier barrier_id(%barrier3A_14)
    %mul3A_15 = arith.constant 10240 : i32
    %mul3A_16 = arith.muli %arg0, %mul3A_15 : i32
    %add3A_17 = arith.addi %mul3A_16, %mul3A_2 : i32
    "tpu.region"() ({
      %run_scoped3A = tpu.sem_alloc : memref<!tpu.dma_semaphore, #tpu.memory_space<semaphore_mem>>
      %dma_start3A = arith.constant 0 : i32
      %dma_start3A_18 = tpu.memref_slice %arg5[%add3A_17, %dma_start3A] : memref<20480x128xf32, #tpu.memory_space<hbm>> -> memref<640x128xf32, #tpu.memory_space<hbm>>
      %dma_start3A_19 = arith.constant 0 : i32
      %dma_start3A_20 = tpu.memref_slice %arg6[%mul3A_2, %dma_start3A_19] : memref<10240x128xf32, #tpu.memory_space<vmem_shared>> -> memref<640x128xf32, #tpu.memory_space<vmem_shared>>
      tpu.enqueue_dma source(%dma_start3A_20 : memref<640x128xf32, #tpu.memory_space<vmem_shared>>) target(%dma_start3A_18 : memref<640x128xf32, #tpu.memory_space<hbm>>) target_semaphore(%run_scoped3A : memref<!tpu.dma_semaphore, #tpu.memory_space<semaphore_mem>>)
      %dma_wait3A = arith.constant 0 : i32
      %dma_wait3A_21 = tpu.memref_slice %arg5[%add3A_17, %dma_wait3A] : memref<20480x128xf32, #tpu.memory_space<hbm>> -> memref<640x128xf32, #tpu.memory_space<hbm>>
      %dma_wait3A_22 = arith.constant 0 : i32
      %dma_wait3A_23 = tpu.memref_slice %arg6[%mul3A_2, %dma_wait3A_22] : memref<10240x128xf32, #tpu.memory_space<vmem_shared>> -> memref<640x128xf32, #tpu.memory_space<vmem_shared>>
      tpu.wait_dma2 semaphore(%run_scoped3A : memref<!tpu.dma_semaphore, #tpu.memory_space<semaphore_mem>>) src(%dma_wait3A_23 : memref<640x128xf32, #tpu.memory_space<vmem_shared>>) dst(%dma_wait3A_21 : memref<640x128xf32, #tpu.memory_space<hbm>>)
      tpu.yield
    }) : () -> ()
    return
  }
}

#map = affine_map<(d0, d1) -> (0, 0)>
#map1 = affine_map<(d0, d1) -> (0, 0, 0)>
module attributes {stable_mosaic.version = 14 : i64} {
  func.func @_sc_agg_body(%arg0: i32, %arg1: i32, %arg2: memref<10000x128xf32, #tpu.memory_space<hbm>>, %arg3: memref<32x160x128xi32, #tpu.memory_space<hbm>>, %arg4: memref<10240x128xf32, #tpu.memory_space<hbm>>, %arg5: memref<20480x128xf32, #tpu.memory_space<hbm>>, %arg6: memref<10240x128xf32, #tpu.memory_space<vmem_shared>>, %arg7: memref<80x128xi32, #tpu.memory_space<vmem>>, %arg8: memref<128x128xf32, #tpu.memory_space<vmem>>, %arg9: memref<128x128xf32, #tpu.memory_space<vmem>>, %arg10: memref<!tpu.dma_semaphore, #tpu.memory_space<semaphore_mem>>, %arg11: memref<!tpu.dma_semaphore, #tpu.memory_space<semaphore_mem>>, %arg12: memref<!tpu.dma_semaphore, #tpu.memory_space<semaphore_mem>>, %arg13: memref<!tpu.dma_semaphore, #tpu.memory_space<semaphore_mem>>) attributes {dimension_semantics = [#tpu.dimension_semantics<core_parallel>, #tpu.dimension_semantics<subcore_parallel>], iteration_bounds = array<i64: 2, 16>, scalar_prefetch = 0 : i64, scratch_operands = 8 : i64, tpu.core_type = #tpu.core_type<sc_vector_subcore>, window_params = [{transform_indices = #map}, {transform_indices = #map1}, {transform_indices = #map}, {transform_indices = #map}]} {
    %mul3A = arith.constant 2 : i32
    %mul3A_0 = arith.muli %arg1, %mul3A : i32
    %add3A = arith.addi %mul3A_0, %arg0 : i32
    %mul3A_1 = arith.constant 640 : i32
    %mul3A_2 = arith.muli %arg1, %mul3A_1 : i32
    "tpu.region"() ({
      %run_scoped3A = tpu.sem_alloc : memref<!tpu.dma_semaphore, #tpu.memory_space<semaphore_mem>>
      %dma_start3A = arith.constant 0 : i32
      %dma_start3A_18 = tpu.memref_slice %arg6[%mul3A_2, %dma_start3A] : memref<10240x128xf32, #tpu.memory_space<vmem_shared>> -> memref<640x128xf32, #tpu.memory_space<vmem_shared>>
      %dma_start3A_19 = arith.constant 0 : i32
      %dma_start3A_20 = tpu.memref_slice %arg4[%mul3A_2, %dma_start3A_19] : memref<10240x128xf32, #tpu.memory_space<hbm>> -> memref<640x128xf32, #tpu.memory_space<hbm>>
      tpu.enqueue_dma source(%dma_start3A_20 : memref<640x128xf32, #tpu.memory_space<hbm>>) target(%dma_start3A_18 : memref<640x128xf32, #tpu.memory_space<vmem_shared>>) target_semaphore(%run_scoped3A : memref<!tpu.dma_semaphore, #tpu.memory_space<semaphore_mem>>)
      %dma_wait3A = arith.constant 0 : i32
      %dma_wait3A_21 = tpu.memref_slice %arg6[%mul3A_2, %dma_wait3A] : memref<10240x128xf32, #tpu.memory_space<vmem_shared>> -> memref<640x128xf32, #tpu.memory_space<vmem_shared>>
      %dma_wait3A_22 = arith.constant 0 : i32
      %dma_wait3A_23 = tpu.memref_slice %arg4[%mul3A_2, %dma_wait3A_22] : memref<10240x128xf32, #tpu.memory_space<hbm>> -> memref<640x128xf32, #tpu.memory_space<hbm>>
      tpu.wait_dma2 semaphore(%run_scoped3A : memref<!tpu.dma_semaphore, #tpu.memory_space<semaphore_mem>>) src(%dma_wait3A_23 : memref<640x128xf32, #tpu.memory_space<hbm>>) dst(%dma_wait3A_21 : memref<640x128xf32, #tpu.memory_space<vmem_shared>>)
      tpu.yield
    }) : () -> ()
    %barrier3A = arith.constant 0 : index
    tpu.barrier barrier_id(%barrier3A)
    "tpu.region"() ({
      %run_scoped3A = tpu.sem_alloc : memref<!tpu.dma_semaphore, #tpu.memory_space<semaphore_mem>>
      %dma_start3A = arith.constant 0 : i32
      %dma_start3A_18 = arith.constant 0 : i32
      %dma_start3A_19 = tpu.memref_slice %arg3[%add3A, %dma_start3A, %dma_start3A_18] : memref<32x160x128xi32, #tpu.memory_space<hbm>> -> memref<1x160x128xi32, #tpu.memory_space<hbm>>
      %dma_start3A_20 = tpu.memref_squeeze %dma_start3A_19 : memref<1x160x128xi32, #tpu.memory_space<hbm>> -> memref<160x128xi32, #tpu.memory_space<hbm>>
      %dma_start3A_21 = arith.constant 0 : i32
      %dma_start3A_22 = arith.constant 0 : i32
      %dma_start3A_23 = tpu.memref_slice %dma_start3A_20[%dma_start3A_21, %dma_start3A_22] : memref<160x128xi32, #tpu.memory_space<hbm>> -> memref<80x128xi32, #tpu.memory_space<hbm>>
      %dma_start3A_24 = arith.constant 0 : i32
      %dma_start3A_25 = arith.constant 0 : i32
      %dma_start3A_26 = tpu.memref_slice %arg3[%add3A, %dma_start3A_24, %dma_start3A_25] : memref<32x160x128xi32, #tpu.memory_space<hbm>> -> memref<1x160x128xi32, #tpu.memory_space<hbm>>
      %dma_start3A_27 = tpu.memref_squeeze %dma_start3A_26 : memref<1x160x128xi32, #tpu.memory_space<hbm>> -> memref<160x128xi32, #tpu.memory_space<hbm>>
      %dma_start3A_28 = arith.constant 0 : i32
      %dma_start3A_29 = arith.constant 0 : i32
      %dma_start3A_30 = tpu.memref_slice %dma_start3A_27[%dma_start3A_28, %dma_start3A_29] : memref<160x128xi32, #tpu.memory_space<hbm>> -> memref<80x128xi32, #tpu.memory_space<hbm>>
      tpu.enqueue_dma source(%dma_start3A_30 : memref<80x128xi32, #tpu.memory_space<hbm>>) target(%arg7 : memref<80x128xi32, #tpu.memory_space<vmem>>) target_semaphore(%run_scoped3A : memref<!tpu.dma_semaphore, #tpu.memory_space<semaphore_mem>>)
      %dma_wait3A = arith.constant 0 : i32
      %dma_wait3A_31 = arith.constant 0 : i32
      %dma_wait3A_32 = tpu.memref_slice %arg3[%add3A, %dma_wait3A, %dma_wait3A_31] : memref<32x160x128xi32, #tpu.memory_space<hbm>> -> memref<1x160x128xi32, #tpu.memory_space<hbm>>
      %dma_wait3A_33 = tpu.memref_squeeze %dma_wait3A_32 : memref<1x160x128xi32, #tpu.memory_space<hbm>> -> memref<160x128xi32, #tpu.memory_space<hbm>>
      %dma_wait3A_34 = arith.constant 0 : i32
      %dma_wait3A_35 = arith.constant 0 : i32
      %dma_wait3A_36 = tpu.memref_slice %dma_wait3A_33[%dma_wait3A_34, %dma_wait3A_35] : memref<160x128xi32, #tpu.memory_space<hbm>> -> memref<80x128xi32, #tpu.memory_space<hbm>>
      %dma_wait3A_37 = arith.constant 0 : i32
      %dma_wait3A_38 = arith.constant 0 : i32
      %dma_wait3A_39 = tpu.memref_slice %arg3[%add3A, %dma_wait3A_37, %dma_wait3A_38] : memref<32x160x128xi32, #tpu.memory_space<hbm>> -> memref<1x160x128xi32, #tpu.memory_space<hbm>>
      %dma_wait3A_40 = tpu.memref_squeeze %dma_wait3A_39 : memref<1x160x128xi32, #tpu.memory_space<hbm>> -> memref<160x128xi32, #tpu.memory_space<hbm>>
      %dma_wait3A_41 = arith.constant 0 : i32
      %dma_wait3A_42 = arith.constant 0 : i32
      %dma_wait3A_43 = tpu.memref_slice %dma_wait3A_40[%dma_wait3A_41, %dma_wait3A_42] : memref<160x128xi32, #tpu.memory_space<hbm>> -> memref<80x128xi32, #tpu.memory_space<hbm>>
      tpu.wait_dma2 semaphore(%run_scoped3A : memref<!tpu.dma_semaphore, #tpu.memory_space<semaphore_mem>>) src(%dma_wait3A_43 : memref<80x128xi32, #tpu.memory_space<hbm>>) dst(%arg7 : memref<80x128xi32, #tpu.memory_space<vmem>>)
      tpu.yield
    }) : () -> ()
    %scan3A = arith.constant 0 : i32
    %scan3A_3 = arith.constant 0 : i32
    %scan3A_4 = arith.constant 20 : i32
    %scan3A_5 = arith.addi %scan3A_3, %scan3A_4 : i32
    %scan3A_6 = arith.constant 1 : i32
    scf.for %scan3A_18 = %scan3A_3 to %scan3A_5 step %scan3A_6  : i32 {
      %mul3A_19 = arith.constant 4 : i32
      %mul3A_20 = arith.muli %mul3A_19, %scan3A_18 : i32
      %sub3A = arith.constant 1 : i32
      %sub3A_21 = arith.subi %scan3A_18, %sub3A : i32
      %mul3A_22 = arith.constant 4 : i32
      %mul3A_23 = arith.muli %mul3A_22, %sub3A_21 : i32
      %gt3A = arith.constant 0 : i32
      %gt3A_24 = arith.cmpi sgt, %scan3A_18, %gt3A : i32
      %convert_element_type3A = arith.extui %gt3A_24 : i1 to i32
      %cond3A = arith.constant 0 : i32
      %cond3A_25 = arith.cmpi ne, %convert_element_type3A, %cond3A : i32
      scf.if %cond3A_25 {
      } else {
      }
      %dma_start3A = arith.constant 0 : i32
      %dma_start3A_26 = tpu.memref_slice %arg7[%mul3A_20, %dma_start3A] : memref<80x128xi32, #tpu.memory_space<vmem>> -> memref<1x128xi32, #tpu.memory_space<vmem>>
      %dma_start3A_27 = tpu.memref_squeeze %dma_start3A_26 : memref<1x128xi32, #tpu.memory_space<vmem>> -> memref<128xi32, #tpu.memory_space<vmem>>
      %dma_start3A_28 = arith.constant 0 : i32
      %dma_start3A_29 = arith.constant 0 : i32
      %dma_start3A_30 = tpu.memref_slice %arg2[%dma_start3A_28, %dma_start3A_29] : memref<10000x128xf32, #tpu.memory_space<hbm>> -> memref<10000x128xf32, #tpu.memory_space<hbm>>
      tpu.enqueue_indirect_dma source(%dma_start3A_30 : memref<10000x128xf32, #tpu.memory_space<hbm>>) target(%arg8 : memref<128x128xf32, #tpu.memory_space<vmem>>) offsets(%dma_start3A_27 : memref<128xi32, #tpu.memory_space<vmem>>) semaphore(%arg10 : memref<!tpu.dma_semaphore, #tpu.memory_space<semaphore_mem>>)
      %gt3A_31 = arith.constant 0 : i32
      %gt3A_32 = arith.cmpi sgt, %scan3A_18, %gt3A_31 : i32
      %convert_element_type3A_33 = arith.extui %gt3A_32 : i1 to i32
      %cond3A_34 = arith.constant 0 : i32
      %cond3A_35 = arith.cmpi ne, %convert_element_type3A_33, %cond3A_34 : i32
      scf.if %cond3A_35 {
      } else {
      }
      %add3A_36 = arith.constant 2 : i32
      %add3A_37 = arith.addi %mul3A_20, %add3A_36 : i32
      %dma_start3A_38 = arith.constant 0 : i32
      %dma_start3A_39 = tpu.memref_slice %arg7[%add3A_37, %dma_start3A_38] : memref<80x128xi32, #tpu.memory_space<vmem>> -> memref<1x128xi32, #tpu.memory_space<vmem>>
      %dma_start3A_40 = tpu.memref_squeeze %dma_start3A_39 : memref<1x128xi32, #tpu.memory_space<vmem>> -> memref<128xi32, #tpu.memory_space<vmem>>
      %dma_start3A_41 = arith.constant 0 : i32
      %dma_start3A_42 = arith.constant 0 : i32
      %dma_start3A_43 = tpu.memref_slice %arg2[%dma_start3A_41, %dma_start3A_42] : memref<10000x128xf32, #tpu.memory_space<hbm>> -> memref<10000x128xf32, #tpu.memory_space<hbm>>
      tpu.enqueue_indirect_dma source(%dma_start3A_43 : memref<10000x128xf32, #tpu.memory_space<hbm>>) target(%arg9 : memref<128x128xf32, #tpu.memory_space<vmem>>) offsets(%dma_start3A_40 : memref<128xi32, #tpu.memory_space<vmem>>) semaphore(%arg11 : memref<!tpu.dma_semaphore, #tpu.memory_space<semaphore_mem>>)
      %dma_wait3A = arith.constant 0 : i32
      %dma_wait3A_44 = tpu.memref_slice %arg7[%mul3A_20, %dma_wait3A] : memref<80x128xi32, #tpu.memory_space<vmem>> -> memref<1x128xi32, #tpu.memory_space<vmem>>
      %dma_wait3A_45 = tpu.memref_squeeze %dma_wait3A_44 : memref<1x128xi32, #tpu.memory_space<vmem>> -> memref<128xi32, #tpu.memory_space<vmem>>
      %dma_wait3A_46 = arith.constant 0 : i32
      %dma_wait3A_47 = arith.constant 0 : i32
      %dma_wait3A_48 = tpu.memref_slice %arg2[%dma_wait3A_46, %dma_wait3A_47] : memref<10000x128xf32, #tpu.memory_space<hbm>> -> memref<10000x128xf32, #tpu.memory_space<hbm>>
      tpu.wait_indirect_dma semaphore(%arg10 : memref<!tpu.dma_semaphore, #tpu.memory_space<semaphore_mem>>) src(%dma_wait3A_48 : memref<10000x128xf32, #tpu.memory_space<hbm>>) dst(%arg8 : memref<128x128xf32, #tpu.memory_space<vmem>>)
      %dma_wait3A_49 = arith.constant 0 : i32
      %dma_wait3A_50 = tpu.memref_slice %arg7[%add3A_37, %dma_wait3A_49] : memref<80x128xi32, #tpu.memory_space<vmem>> -> memref<1x128xi32, #tpu.memory_space<vmem>>
      %dma_wait3A_51 = tpu.memref_squeeze %dma_wait3A_50 : memref<1x128xi32, #tpu.memory_space<vmem>> -> memref<128xi32, #tpu.memory_space<vmem>>
      %dma_wait3A_52 = arith.constant 0 : i32
      %dma_wait3A_53 = arith.constant 0 : i32
      %dma_wait3A_54 = tpu.memref_slice %arg2[%dma_wait3A_52, %dma_wait3A_53] : memref<10000x128xf32, #tpu.memory_space<hbm>> -> memref<10000x128xf32, #tpu.memory_space<hbm>>
      tpu.wait_indirect_dma semaphore(%arg11 : memref<!tpu.dma_semaphore, #tpu.memory_space<semaphore_mem>>) src(%dma_wait3A_54 : memref<10000x128xf32, #tpu.memory_space<hbm>>) dst(%arg9 : memref<128x128xf32, #tpu.memory_space<vmem>>)
    }
    %scan3A_7 = arith.constant 20 : i32
    "tpu.region"() ({
      %run_scoped3A = tpu.sem_alloc : memref<!tpu.dma_semaphore, #tpu.memory_space<semaphore_mem>>
      %dma_start3A = arith.constant 0 : i32
      %dma_start3A_18 = arith.constant 0 : i32
      %dma_start3A_19 = tpu.memref_slice %arg3[%add3A, %dma_start3A, %dma_start3A_18] : memref<32x160x128xi32, #tpu.memory_space<hbm>> -> memref<1x160x128xi32, #tpu.memory_space<hbm>>
      %dma_start3A_20 = tpu.memref_squeeze %dma_start3A_19 : memref<1x160x128xi32, #tpu.memory_space<hbm>> -> memref<160x128xi32, #tpu.memory_space<hbm>>
      %dma_start3A_21 = arith.constant 80 : i32
      %dma_start3A_22 = arith.constant 0 : i32
      %dma_start3A_23 = tpu.memref_slice %dma_start3A_20[%dma_start3A_21, %dma_start3A_22] : memref<160x128xi32, #tpu.memory_space<hbm>> -> memref<80x128xi32, #tpu.memory_space<hbm>>
      %dma_start3A_24 = arith.constant 0 : i32
      %dma_start3A_25 = arith.constant 0 : i32
      %dma_start3A_26 = tpu.memref_slice %arg3[%add3A, %dma_start3A_24, %dma_start3A_25] : memref<32x160x128xi32, #tpu.memory_space<hbm>> -> memref<1x160x128xi32, #tpu.memory_space<hbm>>
      %dma_start3A_27 = tpu.memref_squeeze %dma_start3A_26 : memref<1x160x128xi32, #tpu.memory_space<hbm>> -> memref<160x128xi32, #tpu.memory_space<hbm>>
      %dma_start3A_28 = arith.constant 80 : i32
      %dma_start3A_29 = arith.constant 0 : i32
      %dma_start3A_30 = tpu.memref_slice %dma_start3A_27[%dma_start3A_28, %dma_start3A_29] : memref<160x128xi32, #tpu.memory_space<hbm>> -> memref<80x128xi32, #tpu.memory_space<hbm>>
      tpu.enqueue_dma source(%dma_start3A_30 : memref<80x128xi32, #tpu.memory_space<hbm>>) target(%arg7 : memref<80x128xi32, #tpu.memory_space<vmem>>) target_semaphore(%run_scoped3A : memref<!tpu.dma_semaphore, #tpu.memory_space<semaphore_mem>>)
      %dma_wait3A = arith.constant 0 : i32
      %dma_wait3A_31 = arith.constant 0 : i32
      %dma_wait3A_32 = tpu.memref_slice %arg3[%add3A, %dma_wait3A, %dma_wait3A_31] : memref<32x160x128xi32, #tpu.memory_space<hbm>> -> memref<1x160x128xi32, #tpu.memory_space<hbm>>
      %dma_wait3A_33 = tpu.memref_squeeze %dma_wait3A_32 : memref<1x160x128xi32, #tpu.memory_space<hbm>> -> memref<160x128xi32, #tpu.memory_space<hbm>>
      %dma_wait3A_34 = arith.constant 80 : i32
      %dma_wait3A_35 = arith.constant 0 : i32
      %dma_wait3A_36 = tpu.memref_slice %dma_wait3A_33[%dma_wait3A_34, %dma_wait3A_35] : memref<160x128xi32, #tpu.memory_space<hbm>> -> memref<80x128xi32, #tpu.memory_space<hbm>>
      %dma_wait3A_37 = arith.constant 0 : i32
      %dma_wait3A_38 = arith.constant 0 : i32
      %dma_wait3A_39 = tpu.memref_slice %arg3[%add3A, %dma_wait3A_37, %dma_wait3A_38] : memref<32x160x128xi32, #tpu.memory_space<hbm>> -> memref<1x160x128xi32, #tpu.memory_space<hbm>>
      %dma_wait3A_40 = tpu.memref_squeeze %dma_wait3A_39 : memref<1x160x128xi32, #tpu.memory_space<hbm>> -> memref<160x128xi32, #tpu.memory_space<hbm>>
      %dma_wait3A_41 = arith.constant 80 : i32
      %dma_wait3A_42 = arith.constant 0 : i32
      %dma_wait3A_43 = tpu.memref_slice %dma_wait3A_40[%dma_wait3A_41, %dma_wait3A_42] : memref<160x128xi32, #tpu.memory_space<hbm>> -> memref<80x128xi32, #tpu.memory_space<hbm>>
      tpu.wait_dma2 semaphore(%run_scoped3A : memref<!tpu.dma_semaphore, #tpu.memory_space<semaphore_mem>>) src(%dma_wait3A_43 : memref<80x128xi32, #tpu.memory_space<hbm>>) dst(%arg7 : memref<80x128xi32, #tpu.memory_space<vmem>>)
      tpu.yield
    }) : () -> ()
    %scan3A_8 = arith.constant 0 : i32
    %scan3A_9 = arith.constant 0 : i32
    %scan3A_10 = arith.constant 20 : i32
    %scan3A_11 = arith.addi %scan3A_9, %scan3A_10 : i32
    %scan3A_12 = arith.constant 1 : i32
    scf.for %scan3A_18 = %scan3A_9 to %scan3A_11 step %scan3A_12  : i32 {
      %mul3A_19 = arith.constant 4 : i32
      %mul3A_20 = arith.muli %mul3A_19, %scan3A_18 : i32
      %sub3A = arith.constant 1 : i32
      %sub3A_21 = arith.subi %scan3A_18, %sub3A : i32
      %mul3A_22 = arith.constant 4 : i32
      %mul3A_23 = arith.muli %mul3A_22, %sub3A_21 : i32
      %gt3A = arith.constant 0 : i32
      %gt3A_24 = arith.cmpi sgt, %scan3A_18, %gt3A : i32
      %convert_element_type3A = arith.extui %gt3A_24 : i1 to i32
      %cond3A = arith.constant 0 : i32
      %cond3A_25 = arith.cmpi ne, %convert_element_type3A, %cond3A : i32
      scf.if %cond3A_25 {
      } else {
      }
      %dma_start3A = arith.constant 0 : i32
      %dma_start3A_26 = tpu.memref_slice %arg7[%mul3A_20, %dma_start3A] : memref<80x128xi32, #tpu.memory_space<vmem>> -> memref<1x128xi32, #tpu.memory_space<vmem>>
      %dma_start3A_27 = tpu.memref_squeeze %dma_start3A_26 : memref<1x128xi32, #tpu.memory_space<vmem>> -> memref<128xi32, #tpu.memory_space<vmem>>
      %dma_start3A_28 = arith.constant 0 : i32
      %dma_start3A_29 = arith.constant 0 : i32
      %dma_start3A_30 = tpu.memref_slice %arg2[%dma_start3A_28, %dma_start3A_29] : memref<10000x128xf32, #tpu.memory_space<hbm>> -> memref<10000x128xf32, #tpu.memory_space<hbm>>
      tpu.enqueue_indirect_dma source(%dma_start3A_30 : memref<10000x128xf32, #tpu.memory_space<hbm>>) target(%arg8 : memref<128x128xf32, #tpu.memory_space<vmem>>) offsets(%dma_start3A_27 : memref<128xi32, #tpu.memory_space<vmem>>) semaphore(%arg10 : memref<!tpu.dma_semaphore, #tpu.memory_space<semaphore_mem>>)
      %gt3A_31 = arith.constant 0 : i32
      %gt3A_32 = arith.cmpi sgt, %scan3A_18, %gt3A_31 : i32
      %convert_element_type3A_33 = arith.extui %gt3A_32 : i1 to i32
      %cond3A_34 = arith.constant 0 : i32
      %cond3A_35 = arith.cmpi ne, %convert_element_type3A_33, %cond3A_34 : i32
      scf.if %cond3A_35 {
      } else {
      }
      %add3A_36 = arith.constant 2 : i32
      %add3A_37 = arith.addi %mul3A_20, %add3A_36 : i32
      %dma_start3A_38 = arith.constant 0 : i32
      %dma_start3A_39 = tpu.memref_slice %arg7[%add3A_37, %dma_start3A_38] : memref<80x128xi32, #tpu.memory_space<vmem>> -> memref<1x128xi32, #tpu.memory_space<vmem>>
      %dma_start3A_40 = tpu.memref_squeeze %dma_start3A_39 : memref<1x128xi32, #tpu.memory_space<vmem>> -> memref<128xi32, #tpu.memory_space<vmem>>
      %dma_start3A_41 = arith.constant 0 : i32
      %dma_start3A_42 = arith.constant 0 : i32
      %dma_start3A_43 = tpu.memref_slice %arg2[%dma_start3A_41, %dma_start3A_42] : memref<10000x128xf32, #tpu.memory_space<hbm>> -> memref<10000x128xf32, #tpu.memory_space<hbm>>
      tpu.enqueue_indirect_dma source(%dma_start3A_43 : memref<10000x128xf32, #tpu.memory_space<hbm>>) target(%arg9 : memref<128x128xf32, #tpu.memory_space<vmem>>) offsets(%dma_start3A_40 : memref<128xi32, #tpu.memory_space<vmem>>) semaphore(%arg11 : memref<!tpu.dma_semaphore, #tpu.memory_space<semaphore_mem>>)
      %dma_wait3A = arith.constant 0 : i32
      %dma_wait3A_44 = tpu.memref_slice %arg7[%mul3A_20, %dma_wait3A] : memref<80x128xi32, #tpu.memory_space<vmem>> -> memref<1x128xi32, #tpu.memory_space<vmem>>
      %dma_wait3A_45 = tpu.memref_squeeze %dma_wait3A_44 : memref<1x128xi32, #tpu.memory_space<vmem>> -> memref<128xi32, #tpu.memory_space<vmem>>
      %dma_wait3A_46 = arith.constant 0 : i32
      %dma_wait3A_47 = arith.constant 0 : i32
      %dma_wait3A_48 = tpu.memref_slice %arg2[%dma_wait3A_46, %dma_wait3A_47] : memref<10000x128xf32, #tpu.memory_space<hbm>> -> memref<10000x128xf32, #tpu.memory_space<hbm>>
      tpu.wait_indirect_dma semaphore(%arg10 : memref<!tpu.dma_semaphore, #tpu.memory_space<semaphore_mem>>) src(%dma_wait3A_48 : memref<10000x128xf32, #tpu.memory_space<hbm>>) dst(%arg8 : memref<128x128xf32, #tpu.memory_space<vmem>>)
      %dma_wait3A_49 = arith.constant 0 : i32
      %dma_wait3A_50 = tpu.memref_slice %arg7[%add3A_37, %dma_wait3A_49] : memref<80x128xi32, #tpu.memory_space<vmem>> -> memref<1x128xi32, #tpu.memory_space<vmem>>
      %dma_wait3A_51 = tpu.memref_squeeze %dma_wait3A_50 : memref<1x128xi32, #tpu.memory_space<vmem>> -> memref<128xi32, #tpu.memory_space<vmem>>
      %dma_wait3A_52 = arith.constant 0 : i32
      %dma_wait3A_53 = arith.constant 0 : i32
      %dma_wait3A_54 = tpu.memref_slice %arg2[%dma_wait3A_52, %dma_wait3A_53] : memref<10000x128xf32, #tpu.memory_space<hbm>> -> memref<10000x128xf32, #tpu.memory_space<hbm>>
      tpu.wait_indirect_dma semaphore(%arg11 : memref<!tpu.dma_semaphore, #tpu.memory_space<semaphore_mem>>) src(%dma_wait3A_54 : memref<10000x128xf32, #tpu.memory_space<hbm>>) dst(%arg9 : memref<128x128xf32, #tpu.memory_space<vmem>>)
    }
    %scan3A_13 = arith.constant 20 : i32
    %barrier3A_14 = arith.constant 0 : index
    tpu.barrier barrier_id(%barrier3A_14)
    %mul3A_15 = arith.constant 10240 : i32
    %mul3A_16 = arith.muli %arg0, %mul3A_15 : i32
    %add3A_17 = arith.addi %mul3A_16, %mul3A_2 : i32
    "tpu.region"() ({
      %run_scoped3A = tpu.sem_alloc : memref<!tpu.dma_semaphore, #tpu.memory_space<semaphore_mem>>
      %dma_start3A = arith.constant 0 : i32
      %dma_start3A_18 = tpu.memref_slice %arg5[%add3A_17, %dma_start3A] : memref<20480x128xf32, #tpu.memory_space<hbm>> -> memref<640x128xf32, #tpu.memory_space<hbm>>
      %dma_start3A_19 = arith.constant 0 : i32
      %dma_start3A_20 = tpu.memref_slice %arg6[%mul3A_2, %dma_start3A_19] : memref<10240x128xf32, #tpu.memory_space<vmem_shared>> -> memref<640x128xf32, #tpu.memory_space<vmem_shared>>
      tpu.enqueue_dma source(%dma_start3A_20 : memref<640x128xf32, #tpu.memory_space<vmem_shared>>) target(%dma_start3A_18 : memref<640x128xf32, #tpu.memory_space<hbm>>) target_semaphore(%run_scoped3A : memref<!tpu.dma_semaphore, #tpu.memory_space<semaphore_mem>>)
      %dma_wait3A = arith.constant 0 : i32
      %dma_wait3A_21 = tpu.memref_slice %arg5[%add3A_17, %dma_wait3A] : memref<20480x128xf32, #tpu.memory_space<hbm>> -> memref<640x128xf32, #tpu.memory_space<hbm>>
      %dma_wait3A_22 = arith.constant 0 : i32
      %dma_wait3A_23 = tpu.memref_slice %arg6[%mul3A_2, %dma_wait3A_22] : memref<10240x128xf32, #tpu.memory_space<vmem_shared>> -> memref<640x128xf32, #tpu.memory_space<vmem_shared>>
      tpu.wait_dma2 semaphore(%run_scoped3A : memref<!tpu.dma_semaphore, #tpu.memory_space<semaphore_mem>>) src(%dma_wait3A_23 : memref<640x128xf32, #tpu.memory_space<vmem_shared>>) dst(%dma_wait3A_21 : memref<640x128xf32, #tpu.memory_space<hbm>>)
      tpu.yield
    }) : () -> ()
    return
  }
}

module attributes {stable_mosaic.version = 14 : i64} {
  func.func @_mm_bias_body(%arg0: i32, %arg1: memref<2000x128xf32, #tpu.memory_space<vmem>>, %arg2: memref<128x128xf32, #tpu.memory_space<vmem>>, %arg3: memref<1x128xf32, #tpu.memory_space<vmem>>, %arg4: memref<2000x128xf32, #tpu.memory_space<vmem>>) attributes {dimension_semantics = [#tpu.dimension_semantics<arbitrary>], iteration_bounds = array<i64: 5>, scalar_prefetch = 0 : i64, scratch_operands = 0 : i64, tpu.core_type = #tpu.core_type<tc>, window_params = [{transform_indices = @transform_0, window_bounds = array<i64: 2000, 128>}, {pipeline_mode = #tpu.pipeline_mode<synchronous>, transform_indices = @transform_1, window_bounds = array<i64: 128, 128>}, {pipeline_mode = #tpu.pipeline_mode<synchronous>, transform_indices = @transform_2, window_bounds = array<i64: 1, 128>}, {transform_indices = @transform_3, window_bounds = array<i64: 2000, 128>}]} {
    %get3A = arith.constant 0 : index
    %get3A_0 = arith.constant 0 : index
    %get3A_1 = vector.load %arg1[%get3A, %get3A_0] : memref<2000x128xf32, #tpu.memory_space<vmem>>, vector<2000x128xf32>
    %get3A_2 = arith.constant 0 : index
    %get3A_3 = arith.constant 0 : index
    %get3A_4 = vector.load %arg2[%get3A_2, %get3A_3] : memref<128x128xf32, #tpu.memory_space<vmem>>, vector<128x128xf32>
    %dot_general3A = arith.constant dense<0.000000e+00> : vector<2000x128xf32>
    %dot_general3A_5 = tpu.matmul %get3A_1, %get3A_4, %dot_general3A {dimension_numbers = #tpu.dot_dimension_numbers<[1], [0], [0], [1], [0, 0, 1, 1], [], []>, transpose_lhs_hint = false} : vector<2000x128xf32>, vector<128x128xf32>, vector<2000x128xf32> -> vector<2000x128xf32>
    %get3A_6 = arith.constant 0 : index
    %get3A_7 = arith.constant 0 : index
    %get3A_8 = vector.load %arg3[%get3A_6, %get3A_7] : memref<1x128xf32, #tpu.memory_space<vmem>>, vector<1x128xf32>
    %add3A = vector.broadcast %get3A_8 : vector<1x128xf32> to vector<2000x128xf32>
    %add3A_9 = arith.addf %dot_general3A_5, %add3A : vector<2000x128xf32>
    %swap3A = arith.constant 0 : index
    %swap3A_10 = arith.constant 0 : index
    %swap3A_11 = vector.load %arg4[%swap3A, %swap3A_10] : memref<2000x128xf32, #tpu.memory_space<vmem>>, vector<2000x128xf32>
    tpu.vector_store %arg4[%swap3A, %swap3A_10], %add3A_9 {strides = array<i32>} : memref<2000x128xf32, #tpu.memory_space<vmem>>, vector<2000x128xf32>,
    return
  }
  func.func @transform_0(%arg0: i32) -> (i32, i32) {
    %c0_i32 = arith.constant 0 : i32
    %c0_i32_0 = arith.constant 0 : i32
    return %arg0, %c0_i32 : i32, i32
  }
  func.func @transform_1(%arg0: i32) -> (i32, i32) {
    %c0_i32 = arith.constant 0 : i32
    %c0_i32_0 = arith.constant 0 : i32
    %c0_i32_1 = arith.constant 0 : i32
    return %c0_i32, %c0_i32_0 : i32, i32
  }
  func.func @transform_2(%arg0: i32) -> (i32, i32) {
    %c0_i32 = arith.constant 0 : i32
    %c0_i32_0 = arith.constant 0 : i32
    %c0_i32_1 = arith.constant 0 : i32
    return %c0_i32, %c0_i32_0 : i32, i32
  }
  func.func @transform_3(%arg0: i32) -> (i32, i32) {
    %c0_i32 = arith.constant 0 : i32
    %c0_i32_0 = arith.constant 0 : i32
    return %arg0, %c0_i32 : i32, i32
  }
}

module attributes {stable_mosaic.version = 14 : i64} {
  func.func @_gru_body(%arg0: i32, %arg1: memref<2000x128xf32, #tpu.memory_space<vmem>>, %arg2: memref<2000x128xf32, #tpu.memory_space<vmem>>, %arg3: memref<2000x128xf32, #tpu.memory_space<vmem>>, %arg4: memref<128x128xf32, #tpu.memory_space<vmem>>, %arg5: memref<128x384xf32, #tpu.memory_space<vmem>>, %arg6: memref<128x384xf32, #tpu.memory_space<vmem>>, %arg7: memref<1x384xf32, #tpu.memory_space<vmem>>, %arg8: memref<1x384xf32, #tpu.memory_space<vmem>>, %arg9: memref<2000x128xf32, #tpu.memory_space<vmem>>) attributes {dimension_semantics = [#tpu.dimension_semantics<arbitrary>], iteration_bounds = array<i64: 5>, scalar_prefetch = 0 : i64, scratch_operands = 0 : i64, tpu.core_type = #tpu.core_type<tc>, window_params = [{transform_indices = @transform_0, window_bounds = array<i64: 2000, 128>}, {transform_indices = @transform_1, window_bounds = array<i64: 2000, 128>}, {transform_indices = @transform_2, window_bounds = array<i64: 2000, 128>}, {pipeline_mode = #tpu.pipeline_mode<synchronous>, transform_indices = @transform_3, window_bounds = array<i64: 128, 128>}, {pipeline_mode = #tpu.pipeline_mode<synchronous>, transform_indices = @transform_4, window_bounds = array<i64: 128, 384>}, {pipeline_mode = #tpu.pipeline_mode<synchronous>, transform_indices = @transform_5, window_bounds = array<i64: 128, 384>}, {pipeline_mode = #tpu.pipeline_mode<synchronous>, transform_indices = @transform_6, window_bounds = array<i64: 1, 384>}, {pipeline_mode = #tpu.pipeline_mode<synchronous>, transform_indices = @transform_7, window_bounds = array<i64: 1, 384>}, {transform_indices = @transform_8, window_bounds = array<i64: 2000, 128>}]} {
    %get3A = arith.constant 0 : index
    %get3A_0 = arith.constant 0 : index
    %get3A_1 = vector.load %arg1[%get3A, %get3A_0] : memref<2000x128xf32, #tpu.memory_space<vmem>>, vector<2000x128xf32>
    %get3A_2 = arith.constant 0 : index
    %get3A_3 = arith.constant 0 : index
    %get3A_4 = vector.load %arg2[%get3A_2, %get3A_3] : memref<2000x128xf32, #tpu.memory_space<vmem>>, vector<2000x128xf32>
    %add3A = arith.addf %get3A_1, %get3A_4 : vector<2000x128xf32>
    %get3A_5 = arith.constant 0 : index
    %get3A_6 = arith.constant 0 : index
    %get3A_7 = vector.load %arg4[%get3A_5, %get3A_6] : memref<128x128xf32, #tpu.memory_space<vmem>>, vector<128x128xf32>
    %dot_general3A = arith.constant dense<0.000000e+00> : vector<2000x128xf32>
    %dot_general3A_8 = tpu.matmul %add3A, %get3A_7, %dot_general3A {dimension_numbers = #tpu.dot_dimension_numbers<[1], [0], [0], [1], [0, 0, 1, 1], [], []>, transpose_lhs_hint = false} : vector<2000x128xf32>, vector<128x128xf32>, vector<2000x128xf32> -> vector<2000x128xf32>
    %get3A_9 = arith.constant 0 : index
    %get3A_10 = arith.constant 0 : index
    %get3A_11 = vector.load %arg5[%get3A_9, %get3A_10] : memref<128x384xf32, #tpu.memory_space<vmem>>, vector<128x384xf32>
    %dot_general3A_12 = arith.constant dense<0.000000e+00> : vector<2000x384xf32>
    %dot_general3A_13 = tpu.matmul %dot_general3A_8, %get3A_11, %dot_general3A_12 {dimension_numbers = #tpu.dot_dimension_numbers<[1], [0], [0], [1], [0, 0, 1, 1], [], []>, transpose_lhs_hint = false} : vector<2000x128xf32>, vector<128x384xf32>, vector<2000x384xf32> -> vector<2000x384xf32>
    %get3A_14 = arith.constant 0 : index
    %get3A_15 = arith.constant 0 : index
    %get3A_16 = vector.load %arg7[%get3A_14, %get3A_15] : memref<1x384xf32, #tpu.memory_space<vmem>>, vector<1x384xf32>
    %add3A_17 = vector.broadcast %get3A_16 : vector<1x384xf32> to vector<2000x384xf32>
    %add3A_18 = arith.addf %dot_general3A_13, %add3A_17 : vector<2000x384xf32>
    %get3A_19 = arith.constant 0 : index
    %get3A_20 = arith.constant 0 : index
    %get3A_21 = vector.load %arg3[%get3A_19, %get3A_20] : memref<2000x128xf32, #tpu.memory_space<vmem>>, vector<2000x128xf32>
    %get3A_22 = arith.constant 0 : index
    %get3A_23 = arith.constant 0 : index
    %get3A_24 = vector.load %arg6[%get3A_22, %get3A_23] : memref<128x384xf32, #tpu.memory_space<vmem>>, vector<128x384xf32>
    %dot_general3A_25 = arith.constant dense<0.000000e+00> : vector<2000x384xf32>
    %dot_general3A_26 = tpu.matmul %get3A_21, %get3A_24, %dot_general3A_25 {dimension_numbers = #tpu.dot_dimension_numbers<[1], [0], [0], [1], [0, 0, 1, 1], [], []>, transpose_lhs_hint = false} : vector<2000x128xf32>, vector<128x384xf32>, vector<2000x384xf32> -> vector<2000x384xf32>
    %get3A_27 = arith.constant 0 : index
    %get3A_28 = arith.constant 0 : index
    %get3A_29 = vector.load %arg8[%get3A_27, %get3A_28] : memref<1x384xf32, #tpu.memory_space<vmem>>, vector<1x384xf32>
    %add3A_30 = vector.broadcast %get3A_29 : vector<1x384xf32> to vector<2000x384xf32>
    %add3A_31 = arith.addf %dot_general3A_26, %add3A_30 : vector<2000x384xf32>
    %slice3A = vector.extract_strided_slice %add3A_18 {offsets = [0, 0], sizes = [2000, 128], strides = [1, 1]} : vector<2000x384xf32> to vector<2000x128xf32>
    %slice3A_32 = vector.extract_strided_slice %add3A_18 {offsets = [0, 128], sizes = [2000, 128], strides = [1, 1]} : vector<2000x384xf32> to vector<2000x128xf32>
    %slice3A_33 = vector.extract_strided_slice %add3A_18 {offsets = [0, 256], sizes = [2000, 128], strides = [1, 1]} : vector<2000x384xf32> to vector<2000x128xf32>
    %slice3A_34 = vector.extract_strided_slice %add3A_31 {offsets = [0, 0], sizes = [2000, 128], strides = [1, 1]} : vector<2000x384xf32> to vector<2000x128xf32>
    %slice3A_35 = vector.extract_strided_slice %add3A_31 {offsets = [0, 128], sizes = [2000, 128], strides = [1, 1]} : vector<2000x384xf32> to vector<2000x128xf32>
    %slice3A_36 = vector.extract_strided_slice %add3A_31 {offsets = [0, 256], sizes = [2000, 128], strides = [1, 1]} : vector<2000x384xf32> to vector<2000x128xf32>
    %add3A_37 = arith.addf %slice3A, %slice3A_34 : vector<2000x128xf32>
    %logistic3A = arith.negf %add3A_37 : vector<2000x128xf32>
    %logistic3A_38 = math.exp %logistic3A : vector<2000x128xf32>
    %logistic3A_39 = arith.constant 1.000000e+00 : f32
    %logistic3A_40 = vector.broadcast %logistic3A_39 : f32 to vector<2000x128xf32>
    %logistic3A_41 = arith.addf %logistic3A_40, %logistic3A_38 : vector<2000x128xf32>
    %logistic3A_42 = arith.divf %logistic3A_40, %logistic3A_41 : vector<2000x128xf32>
    %add3A_43 = arith.addf %slice3A_32, %slice3A_35 : vector<2000x128xf32>
    %logistic3A_44 = arith.negf %add3A_43 : vector<2000x128xf32>
    %logistic3A_45 = math.exp %logistic3A_44 : vector<2000x128xf32>
    %logistic3A_46 = arith.constant 1.000000e+00 : f32
    %logistic3A_47 = vector.broadcast %logistic3A_46 : f32 to vector<2000x128xf32>
    %logistic3A_48 = arith.addf %logistic3A_47, %logistic3A_45 : vector<2000x128xf32>
    %logistic3A_49 = arith.divf %logistic3A_47, %logistic3A_48 : vector<2000x128xf32>
    %mul3A = arith.mulf %logistic3A_42, %slice3A_36 : vector<2000x128xf32>
    %add3A_50 = arith.addf %slice3A_33, %mul3A : vector<2000x128xf32>
    %tanh3A = math.tanh %add3A_50 : vector<2000x128xf32>
    %get3A_51 = arith.constant 0 : index
    %get3A_52 = arith.constant 0 : index
    %get3A_53 = vector.load %arg3[%get3A_51, %get3A_52] : memref<2000x128xf32, #tpu.memory_space<vmem>>, vector<2000x128xf32>
    %sub3A = arith.constant 1.000000e+00 : f32
    %sub3A_54 = vector.broadcast %sub3A : f32 to vector<2000x128xf32>
    %sub3A_55 = arith.subf %sub3A_54, %logistic3A_49 : vector<2000x128xf32>
    %mul3A_56 = arith.mulf %sub3A_55, %tanh3A : vector<2000x128xf32>
    %mul3A_57 = arith.mulf %logistic3A_49, %get3A_53 : vector<2000x128xf32>
    %add3A_58 = arith.addf %mul3A_56, %mul3A_57 : vector<2000x128xf32>
    %swap3A = arith.constant 0 : index
    %swap3A_59 = arith.constant 0 : index
    %swap3A_60 = vector.load %arg9[%swap3A, %swap3A_59] : memref<2000x128xf32, #tpu.memory_space<vmem>>, vector<2000x128xf32>
    tpu.vector_store %arg9[%swap3A, %swap3A_59], %add3A_58 {strides = array<i32>} : memref<2000x128xf32, #tpu.memory_space<vmem>>, vector<2000x128xf32>,
    return
  }
  func.func @transform_0(%arg0: i32) -> (i32, i32) {
    %c0_i32 = arith.constant 0 : i32
    %c0_i32_0 = arith.constant 0 : i32
    return %arg0, %c0_i32 : i32, i32
  }
  func.func @transform_1(%arg0: i32) -> (i32, i32) {
    %c0_i32 = arith.constant 0 : i32
    %c0_i32_0 = arith.constant 0 : i32
    return %arg0, %c0_i32 : i32, i32
  }
  func.func @transform_2(%arg0: i32) -> (i32, i32) {
    %c0_i32 = arith.constant 0 : i32
    %c0_i32_0 = arith.constant 0 : i32
    return %arg0, %c0_i32 : i32, i32
  }
  func.func @transform_3(%arg0: i32) -> (i32, i32) {
    %c0_i32 = arith.constant 0 : i32
    %c0_i32_0 = arith.constant 0 : i32
    %c0_i32_1 = arith.constant 0 : i32
    return %c0_i32, %c0_i32_0 : i32, i32
  }
  func.func @transform_4(%arg0: i32) -> (i32, i32) {
    %c0_i32 = arith.constant 0 : i32
    %c0_i32_0 = arith.constant 0 : i32
    %c0_i32_1 = arith.constant 0 : i32
    return %c0_i32, %c0_i32_0 : i32, i32
  }
  func.func @transform_5(%arg0: i32) -> (i32, i32) {
    %c0_i32 = arith.constant 0 : i32
    %c0_i32_0 = arith.constant 0 : i32
    %c0_i32_1 = arith.constant 0 : i32
    return %c0_i32, %c0_i32_0 : i32, i32
  }
  func.func @transform_6(%arg0: i32) -> (i32, i32) {
    %c0_i32 = arith.constant 0 : i32
    %c0_i32_0 = arith.constant 0 : i32
    %c0_i32_1 = arith.constant 0 : i32
    return %c0_i32, %c0_i32_0 : i32, i32
  }
  func.func @transform_7(%arg0: i32) -> (i32, i32) {
    %c0_i32 = arith.constant 0 : i32
    %c0_i32_0 = arith.constant 0 : i32
    %c0_i32_1 = arith.constant 0 : i32
    return %c0_i32, %c0_i32_0 : i32, i32
  }
  func.func @transform_8(%arg0: i32) -> (i32, i32) {
    %c0_i32 = arith.constant 0 : i32
    %c0_i32_0 = arith.constant 0 : i32
    return %arg0, %c0_i32 : i32, i32
  }
}

module attributes {stable_mosaic.version = 14 : i64} {
  func.func @_pool_body(%arg0: memref<10000x128xf32, #tpu.memory_space<vmem>>, %arg1: memref<10000x1xi32, #tpu.memory_space<vmem>>, %arg2: memref<128x1xf32, #tpu.memory_space<vmem>>, %arg3: memref<1x1xf32, #tpu.memory_space<vmem>>, %arg4: memref<128x2xf32, #tpu.memory_space<vmem>>, %arg5: memref<1x2xf32, #tpu.memory_space<vmem>>, %arg6: memref<16x2xf32, #tpu.memory_space<vmem>>) attributes {dimension_semantics = [], scalar_prefetch = 0 : i64, scratch_operands = 0 : i64, tpu.core_type = #tpu.core_type<tc>} {
    %get3A = arith.constant 0 : index
    %get3A_0 = arith.constant 0 : index
    %get3A_1 = vector.load %arg0[%get3A, %get3A_0] : memref<10000x128xf32, #tpu.memory_space<vmem>>, vector<10000x128xf32>
    %get3A_2 = arith.constant 0 : index
    %get3A_3 = arith.constant 0 : index
    %get3A_4 = vector.load %arg1[%get3A_2, %get3A_3] : memref<10000x1xi32, #tpu.memory_space<vmem>>, vector<10000x1xi32>
    %iota3A = tpu.iota {dimensions = array<i32: 1>} : vector<10000x16xi32>
    %eq3A = vector.broadcast %get3A_4 : vector<10000x1xi32> to vector<10000x16xi32>
    %eq3A_5 = arith.cmpi eq, %eq3A, %iota3A : vector<10000x16xi32>
    %convert_element_type3A = arith.extui %eq3A_5 : vector<10000x16xi1> to vector<10000x16xi32>
    %convert_element_type3A_6 = arith.sitofp %convert_element_type3A : vector<10000x16xi32> to vector<10000x16xf32>
    %get3A_7 = arith.constant 0 : index
    %get3A_8 = arith.constant 0 : index
    %get3A_9 = vector.load %arg2[%get3A_7, %get3A_8] : memref<128x1xf32, #tpu.memory_space<vmem>>, vector<128x1xf32>
    %dot_general3A = arith.constant dense<0.000000e+00> : vector<10000x1xf32>
    %dot_general3A_10 = tpu.matmul %get3A_1, %get3A_9, %dot_general3A {dimension_numbers = #tpu.dot_dimension_numbers<[1], [0], [0], [1], [0, 0, 1, 1], [], []>, transpose_lhs_hint = false} : vector<10000x128xf32>, vector<128x1xf32>, vector<10000x1xf32> -> vector<10000x1xf32>
    %get3A_11 = arith.constant 0 : index
    %get3A_12 = arith.constant 0 : index
    %get3A_13 = vector.load %arg3[%get3A_11, %get3A_12] : memref<1x1xf32, #tpu.memory_space<vmem>>, vector<1x1xf32>
    %add3A = vector.broadcast %get3A_13 : vector<1x1xf32> to vector<10000x1xf32>
    %add3A_14 = arith.addf %dot_general3A_10, %add3A : vector<10000x1xf32>
    %jit3A = arith.constant -1.000000e+30 : f32
    %broadcast_in_dim3A = vector.shape_cast %add3A_14 : vector<10000x1xf32> to vector<10000x1xf32>
    %broadcast_in_dim3A_15 = vector.broadcast %broadcast_in_dim3A : vector<10000x1xf32> to vector<10000x16xf32>
    %broadcast_in_dim3A_16 = vector.broadcast %jit3A : f32 to vector<10000x16xf32>
    %select_n3A = arith.select %eq3A_5, %broadcast_in_dim3A_15, %broadcast_in_dim3A_16 : vector<10000x16xi1>, vector<10000x16xf32>
    %reduce_max3A = arith.constant dense<0xFF800000> : vector<16xf32>
    %reduce_max3A_17 = vector.multi_reduction <maximumf>, %select_n3A, %reduce_max3A [0] : vector<10000x16xf32> to vector<16xf32>
    %broadcast_in_dim3A_18 = vector.shape_cast %reduce_max3A_17 : vector<16xf32> to vector<1x16xf32>
    %mul3A = vector.broadcast %broadcast_in_dim3A_18 : vector<1x16xf32> to vector<10000x16xf32>
    %mul3A_19 = arith.mulf %convert_element_type3A_6, %mul3A : vector<10000x16xf32>
    %reduce_sum3A = arith.constant dense<0.000000e+00> : vector<10000xf32>
    %reduce_sum3A_20 = vector.multi_reduction <add>, %mul3A_19, %reduce_sum3A [1] : vector<10000x16xf32> to vector<10000xf32>
    %broadcast_in_dim3A_21 = vector.shape_cast %reduce_sum3A_20 : vector<10000xf32> to vector<10000x1xf32>
    %sub3A = arith.subf %add3A_14, %broadcast_in_dim3A_21 : vector<10000x1xf32>
    %exp3A = math.exp %sub3A : vector<10000x1xf32>
    %mul3A_22 = vector.broadcast %exp3A : vector<10000x1xf32> to vector<10000x16xf32>
    %mul3A_23 = arith.mulf %convert_element_type3A_6, %mul3A_22 : vector<10000x16xf32>
    %reduce_sum3A_24 = arith.constant dense<0.000000e+00> : vector<16xf32>
    %reduce_sum3A_25 = vector.multi_reduction <add>, %mul3A_23, %reduce_sum3A_24 [0] : vector<10000x16xf32> to vector<16xf32>
    %broadcast_in_dim3A_26 = vector.shape_cast %reduce_sum3A_25 : vector<16xf32> to vector<1x16xf32>
    %mul3A_27 = vector.broadcast %broadcast_in_dim3A_26 : vector<1x16xf32> to vector<10000x16xf32>
    %mul3A_28 = arith.mulf %convert_element_type3A_6, %mul3A_27 : vector<10000x16xf32>
    %reduce_sum3A_29 = arith.constant dense<0.000000e+00> : vector<10000xf32>
    %reduce_sum3A_30 = vector.multi_reduction <add>, %mul3A_28, %reduce_sum3A_29 [1] : vector<10000x16xf32> to vector<10000xf32>
    %broadcast_in_dim3A_31 = vector.shape_cast %reduce_sum3A_30 : vector<10000xf32> to vector<10000x1xf32>
    %div3A = arith.divf %exp3A, %broadcast_in_dim3A_31 : vector<10000x1xf32>
    %get3A_32 = arith.constant 0 : index
    %get3A_33 = arith.constant 0 : index
    %get3A_34 = vector.load %arg4[%get3A_32, %get3A_33] : memref<128x2xf32, #tpu.memory_space<vmem>>, vector<128x2xf32>
    %dot_general3A_35 = arith.constant dense<0.000000e+00> : vector<10000x2xf32>
    %dot_general3A_36 = tpu.matmul %get3A_1, %get3A_34, %dot_general3A_35 {dimension_numbers = #tpu.dot_dimension_numbers<[1], [0], [0], [1], [0, 0, 1, 1], [], []>, transpose_lhs_hint = false} : vector<10000x128xf32>, vector<128x2xf32>, vector<10000x2xf32> -> vector<10000x2xf32>
    %get3A_37 = arith.constant 0 : index
    %get3A_38 = arith.constant 0 : index
    %get3A_39 = vector.load %arg5[%get3A_37, %get3A_38] : memref<1x2xf32, #tpu.memory_space<vmem>>, vector<1x2xf32>
    %add3A_40 = vector.broadcast %get3A_39 : vector<1x2xf32> to vector<10000x2xf32>
    %add3A_41 = arith.addf %dot_general3A_36, %add3A_40 : vector<10000x2xf32>
    %mul3A_42 = vector.broadcast %div3A : vector<10000x1xf32> to vector<10000x2xf32>
    %mul3A_43 = arith.mulf %mul3A_42, %add3A_41 : vector<10000x2xf32>
    %dot_general3A_44 = arith.constant dense<0.000000e+00> : vector<16x2xf32>
    %dot_general3A_45 = tpu.matmul %convert_element_type3A_6, %mul3A_43, %dot_general3A_44 {dimension_numbers = #tpu.dot_dimension_numbers<[0], [0], [1], [1], [0, 1, 1, 1], [], []>, transpose_lhs_hint = false} : vector<10000x16xf32>, vector<10000x2xf32>, vector<16x2xf32> -> vector<16x2xf32>
    %reduce_max3A_46 = arith.constant dense<0xFF800000> : vector<16xf32>
    %reduce_max3A_47 = vector.multi_reduction <maximumf>, %dot_general3A_45, %reduce_max3A_46 [1] : vector<16x2xf32> to vector<16xf32>
    %broadcast_in_dim3A_48 = vector.shape_cast %reduce_max3A_47 : vector<16xf32> to vector<16x1xf32>
    %sub3A_49 = vector.broadcast %broadcast_in_dim3A_48 : vector<16x1xf32> to vector<16x2xf32>
    %sub3A_50 = arith.subf %dot_general3A_45, %sub3A_49 : vector<16x2xf32>
    %exp3A_51 = math.exp %sub3A_50 : vector<16x2xf32>
    %reduce_sum3A_52 = arith.constant dense<0.000000e+00> : vector<16xf32>
    %reduce_sum3A_53 = vector.multi_reduction <add>, %exp3A_51, %reduce_sum3A_52 [1] : vector<16x2xf32> to vector<16xf32>
    %broadcast_in_dim3A_54 = vector.shape_cast %reduce_sum3A_53 : vector<16xf32> to vector<16x1xf32>
    %div3A_55 = vector.broadcast %broadcast_in_dim3A_54 : vector<16x1xf32> to vector<16x2xf32>
    %div3A_56 = arith.divf %exp3A_51, %div3A_55 : vector<16x2xf32>
    %swap3A = arith.constant 0 : index
    %swap3A_57 = arith.constant 0 : index
    %swap3A_58 = vector.load %arg6[%swap3A, %swap3A_57] : memref<16x2xf32, #tpu.memory_space<vmem>>, vector<16x2xf32>
    tpu.vector_store %arg6[%swap3A, %swap3A_57], %div3A_56 {strides = array<i32>} : memref<16x2xf32, #tpu.memory_space<vmem>>, vector<16x2xf32>,
    return
  }
}

</mosaic_0001>

<sc_bundles>
// kernel: kernel.12.cloned.1.call-start
scs
__scs_entry_jumppad:
0x0: {  	(pc) =	sbr.rel $0x88, $3  }
0x1: {  	(tag) =	ssettag $0x0;
	lr =	simm.s32 $0x1  }
0x2: {  	[smem:$0x3F93] =	sst lr;
	_ =	strace $0xD0000000  }
0x3: {  	_ = 	snop  }
0x4: {  	_ = 	snop  }
0x5: {  	_ = 	snop  }
0x6: {  	_ = 	snop  }
0x7: {  	_ = 	snop  }
__scs_overlays_trampoline_lowered:
0x8: {  	[smem:$0x3FA2] =	sst s0  }
0x9: {  	[smem:$0x3FA3] =	sst s1  }
0xa: {  	[smem:$0x3FA4] =	sst s2  }
0xb: {  	[smem:$0x3FA5] =	sst s3  }
0xc: {  	[smem:$0x3FA6] =	sst s4  }
0xd: {  	[smem:$0x3FA7] =	sst s5  }
0xe: {  	[smem:$0x3FA8] =	sst s6  }
0xf: {  	[smem:$0x3FA9] =	sst s7  }
0x10: {  	[smem:$0x3FAA] =	sst s8  }
0x11: {  	[smem:$0x3FAB] =	sst s9;
	s0 =	simm.s32 @!p0 $0x0  }
0x12: {  	s1 =	sld [smem:$0x3F91];
	s0 =	simm.s32 @p0 $0x1  }
0x13: {  	[smem:$0x3FAC] =	sst s0;
	s0 =	simm.s32 @!p1 $0x0  }
0x14: {  	s2 =	sld [smem:$0x3F90];
	s0 =	simm.s32 @p1 $0x1  }
0x15: {  	[smem:$0x3FAD] =	sst s0;
	s0 =	simm.s32 @!p2 $0x0  }
0x16: {  	s3 =	sld [smem:$0x3FDB];
	s0 =	simm.s32 @p2 $0x1  }
0x17: {  	s4 =	simm.s32 $0x1BF5;
	[smem:$0x3FAF] =	sst s0  }
0x18: {  	s0 =	sld [smem:$0x3F92];
	_ =	swait.ge [sflag:s4], $0x0  }
0x19: {  	s7 =	sld [smem:$0x3F93]  }
0x1a: {  	s8 =	sadd.s32 $0xFFFFE003, lr  }
0x1b: {  	s9 =	sadd.s32 $0xFFFFFEF7, lr;
	s5 =	simm.s32 $0xFFFFFFFF;
	p2 =	slt.u32 s8, $0xFFFFF086  }
0x1c: {  	p1 =	slt.u32 s9, $0xF7A;
	s5 =	simm.s32 @!p2 $0x0  }
0x1d: {  	s5 =	simm.s32 @p1 $0x1;
	p0 =	seq.s32 s7, s2  }
0x1e: {  	s7 =	smul.u32 @!p0 $0xF7A, s2;
	p2 =	seq.s32 @!p0 s5, $0x0  }
0x1f: {  	s9 =	smul.u32 $0xF7A, s1;
	s8 =	simm.s32 @!p0 $0x1BF5;
	p2 =	por !p2, p0  }
0x20: {  	[sflag:s8] =	ssyncset.s32 @!p0 $0xFFFFF086;
	s6 =	sadd.s32 @!p0 s3, s7;
	s7 =	simm.s32 @!p0 $0x108  }
0x21: {  	s3 =	sadd.s32 s3, s9;
	s6 =	sadd.s32 @!p0 $0x88, s6;
	s7 =	simm.s32 @p2 $0x1082  }
0x22: {  	[simem:s7], [sflag:s8] =	dma.local @!p0 [hbm:s6], $0xF7A  }
0x23: {  	s9 =	sor.u32 $0xD0000000, s2;
	s6 =	simm.s32 $0x108;
	_ =	swait.ge @!p0 [sflag:s8], $0x0  }
0x24: {  	s3 =	sadd.s32 $0x88, s3;
	s6 =	simm.s32 @!p1 $0x1082;
	[sflag:s4] =	ssyncset.s32 $0xFFFFF086  }
0x25: {  	[simem:s6], [sflag:s4] =	dma.local [hbm:s3], $0xF7A  }
0x26: {  	[smem:$0x3F93] =	sst s1;
	(tag) =	ssettag s2;
	_ =	strace s9  }
0x27: {  	s1 =	sld [smem:$0x3FA3]  }
0x28: {  	s2 =	sld [smem:$0x3FA4]  }
0x29: {  	s4 =	sld [smem:$0x3FA6]  }
0x2a: {  	p0 =	seq.s32 s5, $0x0;
	s5 =	sld [smem:$0x3FA7]  }
0x2b: {  	s6 =	sld [smem:$0x3FA8]  }
0x2c: {  	s7 =	sld [smem:$0x3FA9]  }
0x2d: {  	s3 =	simm.s32 $0x108;
	s8 =	sld [smem:$0x3FAA]  }
0x2e: {  	s3 =	simm.s32 @!p0 $0x1082;
	s9 =	sld [smem:$0x3FAB]  }
0x2f: {  	lr =	sadd.s32 s0, s3;
	s0 =	sld [smem:$0x3FA2]  }
0x30: {  	s3 =	sld [smem:$0x3FA5]  }
0x31: {  	[smem:$0x3FAE] =	sst s10  }
0x32: {  	s10 =	sld [smem:$0x3FAC];
	_ =	sdelay $0x3  }
0x33: {  	p0 =	seq.s32 s10, $0x1;
	s10 =	sld [smem:$0x3FAE];
	_ =	sdelay $0x3  }
0x34: {  	[smem:$0x3FAE] =	sst s10  }
0x35: {  	s10 =	sld [smem:$0x3FAD];
	_ =	sdelay $0x3  }
0x36: {  	p1 =	seq.s32 s10, $0x1;
	s10 =	sld [smem:$0x3FAE];
	_ =	sdelay $0x3  }
0x37: {  	[smem:$0x3FAE] =	sst s10  }
0x38: {  	s10 =	sld [smem:$0x3FAF]  }
0x39: {  	_ = 	snop;
	(pc) =	sbr.ind lr, $3  }
0x3a: {  	_ = 	snop  }
0x3b: {  	_ = 	snop  }
0x3c: {  	p2 =	seq.s32 s10, $0x1;
	s10 =	sld [smem:$0x3FAE]  }
0x3d: {  	_ =	shalt  }
0x3e: {  	_ =	shalt  }
0x3f: {  	_ =	shalt  }
0x40: {  	_ =	shalt  }
0x41: {  	_ =	shalt  }
0x42: {  	_ =	shalt  }
0x43: {  	_ =	shalt  }
0x44: {  	_ =	shalt  }
0x45: {  	_ =	shalt  }
0x46: {  	_ =	shalt  }
0x47: {  	_ =	shalt  }
0x48: {  	_ =	shalt  }
0x49: {  	_ =	shalt  }
0x4a: {  	_ =	shalt  }
0x4b: {  	_ =	shalt  }
0x4c: {  	_ =	shalt  }
0x4d: {  	_ =	shalt  }
0x4e: {  	_ =	shalt  }
0x4f: {  	_ =	shalt  }
0x50: {  	_ =	shalt  }
0x51: {  	_ =	shalt  }
0x52: {  	_ =	shalt  }
0x53: {  	_ =	shalt  }
0x54: {  	_ =	shalt  }
0x55: {  	_ =	shalt  }
0x56: {  	_ =	shalt  }
0x57: {  	_ =	shalt  }
0x58: {  	_ =	shalt  }
0x59: {  	_ =	shalt  }
0x5a: {  	_ =	shalt  }
0x5b: {  	_ =	shalt  }
0x5c: {  	_ =	shalt  }
0x5d: {  	_ =	shalt  }
0x5e: {  	_ =	shalt  }
0x5f: {  	_ =	shalt  }
0x60: {  	_ =	shalt  }
0x61: {  	_ =	shalt  }
0x62: {  	_ =	shalt  }
0x63: {  	_ =	shalt  }
0x64: {  	_ =	shalt  }
0x65: {  	_ =	shalt  }
0x66: {  	_ =	shalt  }
0x67: {  	_ =	shalt  }
0x68: {  	_ =	shalt  }
0x69: {  	_ =	shalt  }
0x6a: {  	_ =	shalt  }
0x6b: {  	_ =	shalt  }
0x6c: {  	_ =	shalt  }
0x6d: {  	_ =	shalt  }
0x6e: {  	_ =	shalt  }
0x6f: {  	_ =	shalt  }
0x70: {  	_ =	shalt  }
0x71: {  	_ =	shalt  }
0x72: {  	_ =	shalt  }
0x73: {  	_ =	shalt  }
0x74: {  	_ =	shalt  }
0x75: {  	_ =	shalt  }
0x76: {  	_ =	shalt  }
0x77: {  	_ =	shalt  }
0x78: {  	_ =	shalt  }
0x79: {  	_ =	shalt  }
0x7a: {  	_ =	shalt  }
0x7b: {  	_ =	shalt  }
0x7c: {  	_ =	shalt  }
0x7d: {  	_ =	shalt  }
0x7e: {  	_ =	shalt  }
0x7f: {  	_ =	shalt  }
0x80: {  	_ =	shalt  }
0x81: {  	_ =	shalt  }
0x82: {  	_ =	shalt  }
0x83: {  	_ =	shalt  }
0x84: {  	_ =	shalt  }
0x85: {  	_ =	shalt  }
0x86: {  	_ =	shalt  }
0x87: {  	_ =	shalt  }
.Lfunc_end0:
.L_simem_size_0:
called_computation_lowered:
.L_overlay_start_0:
0x88: {  	s2 =	sld [smem:$0x3FD9]  }
0x89: {  	s3 =	sld [smem:$0x3FFE];
	_ =	sdelay $0x1  }
0x8a: {  	s1 =	srdreg.scid  }
0x8b: {  	s0 =	sand.u32 $0x1, s1  }
0x8c: {  	s16 =	sshll.u32 s0, $0xA;
	s2 =	sadd.s32 s3, s2  }
0x8d: {  	s2 =	sadd.s32 s2, s16  }
0x8e: {  	[smem:$0x3FBA] =	sst s2  }
0x8f: {  	_ = 	snop  }
0x90: {  	(tm) =	ssettm $0x1  }
0x91: {  	s17 =	sld [smem:$0x3FFB];
	_ =	sdelay $0x3  }
0x92: {  	_ =	strace s17  }
0x93: {  	s2 =	sld [smem:$0x3FFC];
	_ =	sdelay $0x3  }
0x94: {  	_ =	strace s2  }
0x95: {  	s2 =	sld [smem:$0x3FFD];
	_ =	sdelay $0x3  }
0x96: {  	_ =	strace s2  }
0x97: {  	_ =	strace $0x8FFFFFFF  }
0x98: {  	s18 =	sld [smem:$0x3FDB];
	_ =	sdelay $0x1  }
0x99: {  	s19 =	simm.s32 $_scs_section_size  }
0x9a: {  	s4 =	simm.s32 $_size__tile_overlayer_lowered;
	s5 =	simm.s32 $_tile_overlayer_lowered  }
0x9b: {  	s22 =	simm.s32 $0x1BFF;
	s21 =	sshll.u32 s5, $0x1;
	s2 =	sadd.s32 s19, s18  }
0x9c: {  	s6 =	simm.s32 $0x0;
	s20 =	sshll.u32 s4, $0x1;
	s4 =	sadd.s32 s21, s2  }
0x9d: {  	[timem:s6], [sflag:s22] =	dma.local [hbm:s4], s20  }
0x9e: {  	_ =	swait.ge [sflag:s22], s20  }
0x9f: {  	s3 =	ssub.s32 $0x0, s20;
	[sflag:s22] =	ssyncset.done $0x0  }
0xa0: {  	[sflag:s22] =	ssyncadd.s32 s3;
	_ =	sdelay $0x1  }
0xa1: {  	s23 =	simm.s32 $0x1B8B  }
0xa2: {  	_ =	swait.ge [sflag:s23], $0x1  }
0xa3: {  	[sflag:s23] =	ssyncset.done $0x0  }
0xa4: {  	s25 =	simm.s32 $0x1B8E;
	s24 =	sld [smem:$0x3FFE];
	[sflag:s23] =	ssyncadd.s32 $0xFFFFFFFF  }
0xa5: {  	s26 =	simm.s32 $execute0_lowered;
	[smem:$0x3FD2] =	sst s25  }
0xa6: {  	s4 =	sshll.u32 s26, $0x1;
	_ =	strace $0x80000046;
	[dreg:$0x1] =	wrdreg $0xFFFFFFFF  }
0xa7: {  	s28 =	simm.s32 $_size_execute0_lowered;
	s2 =	sadd.s32 s2, s4;
	[dreg:$0x0] =	wrdreg $0x0  }
0xa8: {  	s4 =	sshll.u32 s28, $0x1;
	[dreg:$0x2] =	wrdreg s2  }
0xa9: {  	[dreg:$0x3] =	wrdreg s4  }
0xaa: {  	[dreg:$0x4] =	wrdreg $0xC0  }
0xab: {  	_ =	task [dreg:s6], $0x5FFFF  }
0xac: {  	[dreg:$0x1] =	wrdreg $0xFFFFFFFF  }
0xad: {  	[dreg:$0x0] =	wrdreg $0x60  }
0xae: {  	[dreg:$0x2] =	wrdreg s24  }
0xaf: {  	[dreg:$0x3] =	wrdreg $0x0  }
0xb0: {  	[dreg:$0x4] =	wrdreg $0x9  }
0xb1: {  	_ =	task.clear_ibuf [dreg:s6], $0x5FFFF;
	_ =	strace $0x90000046  }
0xb2: {  	s29 =	simm.s32 $0x9;
	_ =	strace $0x80000048  }
0xb3: {  	_ =	swait.ge [sflag:s29], $0x1  }
0xb4: {  	[sflag:s29] =	ssyncadd.s32 $0xFFFFFFFF  }
0xb5: {  	_ =	strace $0x90000048  }
0xb6: {  	_ =	sfence  }
0xb7: {  	s30 =	sld [smem:$0x0];
	_ =	sdelay $0x2  }
0xb8: {  	s31 =	sshll.u32 s1, $0xD;
	s1 =	sshrl.u32 s1, $0x2  }
0xb9: {  	s3 =	sand.u32 $0x4000, s31;
	s1 =	sadd.s32 s1, s30  }
0xba: {  	s0 =	sor.u32 s3, s0;
	s1 =	sshll.u32 s1, $0x11  }
0xbb: {  	s0 =	sor.u32 s1, s0  }
0xbc: {  	s0 =	sadd.s32 $0x8F2B, s0  }
0xbd: {  	[sflag:s0] =	ssyncadd.remote.s32 $0x1  }
0xbe: {  	_ =	sfence.sel $0xFFFF  }
0xbf: {  	[dreg:$0x0] =	wrdreg $0xFFFFFFFF;
	(pc) =	sbr.abs _section_cstart, $3  }
0xc0: {  	[dreg:$0x1] =	wrdreg $0xFFFFFFFF  }
0xc1: {  	_ =	task.clear_ibuf [dreg:s6], $0x2FFFF;
	_ =	strace $0x9FFFFFFF  }
0xc2: {  	(tm) =	ssettm $0x7FFFFFFF  }
0xc3: {  	_ =	shalt  }
tec
execute0_lowered:
.L_overlay_start_1:
0x0: {  	(tag) =	ssettag $0x1  }
0x1: {  	s1 =	srdreg.scid;
	s4 =	rddreg [dreg:$0x0]  }
0x2: {  	s0 =	stileid.u32;
	s6 =	rddreg [dreg:$0x1];
	s2 =	simm.s32 $0x0  }
0x3: {  	s12 =	simm.s32 $0x80;
	s13 =	simm.s32 $0x16800;
	s14 =	simm.s32 $0x1A800  }
0x4: {  	s15 =	simm.s32 $0x1;
	s16 =	simm.s32 $0x2;
	s18 =	simm.s32 $0x0  }
0x5: {  	s5 =	sand.u32 $0x1, s1;
	s1 =	rddreg [dreg:$0x2];
	s8 =	smul.u32 $0x2800, s0  }
0x6: {  	s26 =	sshll.u32 s0, $0x1;
	[smem:$0x7FF] =	sst s2;
	s10 =	smul.u32 $0x50000, s0  }
0x7: {  	s31 =	sshll.u32 s0, $0x6;
	s3 =	sor.u32 s5, s26;
	s9 =	smul.u32 $0x28000, s5  }
0x8: {  	_ =	strace $0x80000047;
	s5 =	ssub.s32 $0x2, s5;
	s7 =	smul.u32 $0xA00, s3  }
0x9: {  	s3 =	sadd.s32 $0x19800, s4;
	s11 =	sadd.s32 s8, s4;
	s28 =	sshrl.u32 s5, $0x1  }
0xa: {  	s29 =	sshrl.u32 s10, $0x2;
	s10 =	simm.s32 $0x3;
	s8 =	sadd.s32 s8, s9  }
0xb: {  	s30 =	ssub.s32 s5, s28;
	s9 =	sadd.s32 s29, s6;
	s5 =	sor.u32 $0x1C03, s31  }
0xc: {  	s7 =	sadd.s32 s7, s4;
	s8 =	sadd.s32 s8, s4;
	s4 =	sadd.s32 $0x40A00, s11  }
0xd: {  	s9 =	sshrl.u32 s9, $0x3;
	s11 =	simm.s32 $0x14000;
	s6 =	sadd.s32 $0x5800, s7  }
0xe: {  	s7 =	sadd.s32 $0x68A00, s8;
	s8 =	smax.u32 s30, $0x1;
	s17 =	sadd.s32 $0x500, s6  }
.LBB2_1:
0xf: {  	[spmem:s9], [sflag:s5] =	dma.local [hbm:s4], $0x2800  }
0x10: {  	_ =	swait.ge [sflag:s10], $0x2800  }
0x11: {  	[sflag:s10] =	ssyncset.done $0x0  }
0x12: {  	[sflag:s10] =	ssyncadd.s32 $0xFFFFD800  }
0x13: {  	[bflag:$0x0] =	sbarrier.arrive $0xFFFF  }
0x14: {  	[tilespmem:s11], [sflag:$0x3] =	stream.linear.gather [hbm4b:s6+s2], $0x2800, $0x38;
	[tilespmem:$0x1E800] =	vst v63  }
0x15: {  	_ =	swait.ge [sflag:s10], $0x2800  }
0x16: {  	[sflag:s10] =	ssyncset.done $0x0  }
0x17: {  	s19 =	simm.s32 $0x14000;
	[sflag:s10] =	ssyncadd.s32 $0xFFFFD800  }
0x18: {  	[tilespmem:s13], [sflag:$0x1] =	stream.indirect.gather [hbm4b:s3+s12], $0x80, s19, s12, $0xb8;
	[tilespmem:$0x1E800] =	vst v63  }
0x19: {  	s31 =	simm.s32 $0x14100  }
0x1a: {  	[tilespmem:s14], [sflag:$0x2] =	stream.indirect.gather [hbm4b:s3+s12], $0x80, s31, s12, $0xb8;
	[tilespmem:$0x1E800] =	vst v63  }
0x1b: {  	_ =	swait.ge [sflag:s15], $0x4000  }
0x1c: {  	[sflag:s15] =	ssyncset.done $0x0  }
0x1d: {  	[sflag:s15] =	ssyncadd.s32 $0xFFFFC000  }
0x1e: {  	_ =	swait.ge [sflag:s16], $0x4000  }
0x1f: {  	s20 =	simm.s32 $0x1000;
	s19 =	simm.s32 $0x200;
	[sflag:s16] =	ssyncset.done $0x0  }
.LBB2_2:
0x20: {  	s21 =	sadd.s32 $0x14000, s19  }
0x21: {  	[sflag:s16] =	ssyncadd.s32 $0xFFFFC000;
	s22 =	smov.u32 s20;
	s23 =	sadd.s32 $0x800, s20  }
0x22: {  	[tilespmem:s13], [sflag:$0x1] =	stream.indirect.gather [hbm4b:s3+s12], $0x80, s21, s12, $0xb8;
	[tilespmem:$0x1E800] =	vst v63  }
0x23: {  	p0 =	sne.s32 s20, $0x9800;
	s19 =	sadd.s32 $0x14100, s19  }
0x24: {  	[tilespmem:s14], [sflag:$0x2] =	stream.indirect.gather [hbm4b:s3+s12], $0x80, s19, s12, $0xb8;
	[tilespmem:$0x1E800] =	vst v63  }
.Ltmp0:
0x25: {  	_ =	swait.ge [sflag:s15], $0x4000;
	(pc) =	sbr.rel @p0 .LBB2_2-.Ltmp0, $4  }
0x26: {  	[sflag:s15] =	ssyncset.done $0x0  }
0x27: {  	[sflag:s15] =	ssyncadd.s32 $0xFFFFC000  }
0x28: {  	_ =	swait.ge [sflag:s16], $0x4000  }
0x29: {  	s20 =	smov.u32 s23;
	s19 =	sshra.s32 s22, $0x2;
	[sflag:s16] =	ssyncset.done $0x0  }
0x2a: {  	s20 =	sadd.s32 $0x14000, s19;
	[sflag:s16] =	ssyncadd.s32 $0xFFFFC000  }
0x2b: {  	[tilespmem:s13], [sflag:$0x1] =	stream.indirect.gather [hbm4b:s3+s12], $0x80, s20, s12, $0xb8;
	[tilespmem:$0x1E800] =	vst v63  }
0x2c: {  	s28 =	sadd.s32 $0x14100, s19  }
0x2d: {  	[tilespmem:s14], [sflag:$0x2] =	stream.indirect.gather [hbm4b:s3+s12], $0x80, s28, s12, $0xb8;
	[tilespmem:$0x1E800] =	vst v63  }
0x2e: {  	_ =	swait.ge [sflag:s15], $0x4000  }
0x2f: {  	[sflag:s15] =	ssyncset.done $0x0  }
0x30: {  	[sflag:s15] =	ssyncadd.s32 $0xFFFFC000  }
0x31: {  	_ =	swait.ge [sflag:s16], $0x4000  }
0x32: {  	[sflag:s16] =	ssyncset.done $0x0  }
0x33: {  	s29 =	simm.s32 $0x0;
	[sflag:s16] =	ssyncadd.s32 $0xFFFFC000  }
0x34: {  	[tilespmem:s11], [sflag:$0x3] =	stream.linear.gather [hbm4b:s17+s29], $0x2800, $0x38;
	[tilespmem:$0x1E800] =	vst v63  }
0x35: {  	_ =	swait.ge [sflag:s10], $0x2800  }
0x36: {  	[sflag:s10] =	ssyncset.done $0x0  }
0x37: {  	s30 =	simm.s32 $0x14000;
	[sflag:s10] =	ssyncadd.s32 $0xFFFFD800  }
0x38: {  	[tilespmem:s13], [sflag:$0x1] =	stream.indirect.gather [hbm4b:s3+s12], $0x80, s30, s12, $0xb8;
	[tilespmem:$0x1E800] =	vst v63  }
0x39: {  	s31 =	simm.s32 $0x14100  }
0x3a: {  	[tilespmem:s14], [sflag:$0x2] =	stream.indirect.gather [hbm4b:s3+s12], $0x80, s31, s12, $0xb8;
	[tilespmem:$0x1E800] =	vst v63  }
0x3b: {  	_ =	swait.ge [sflag:s15], $0x4000  }
0x3c: {  	[sflag:s15] =	ssyncset.done $0x0  }
0x3d: {  	[sflag:s15] =	ssyncadd.s32 $0xFFFFC000  }
0x3e: {  	_ =	swait.ge [sflag:s16], $0x4000  }
0x3f: {  	s19 =	simm.s32 $0x200;
	s20 =	simm.s32 $0x1000;
	[sflag:s16] =	ssyncset.done $0x0  }
.LBB2_4:
0x40: {  	s21 =	sadd.s32 $0x14000, s19  }
0x41: {  	[sflag:s16] =	ssyncadd.s32 $0xFFFFC000;
	s22 =	smov.u32 s20;
	s23 =	sadd.s32 $0x800, s20  }
0x42: {  	[tilespmem:s13], [sflag:$0x1] =	stream.indirect.gather [hbm4b:s3+s12], $0x80, s21, s12, $0xb8;
	[tilespmem:$0x1E800] =	vst v63  }
0x43: {  	p0 =	sne.s32 s20, $0x9800;
	s19 =	sadd.s32 $0x14100, s19  }
0x44: {  	[tilespmem:s14], [sflag:$0x2] =	stream.indirect.gather [hbm4b:s3+s12], $0x80, s19, s12, $0xb8;
	[tilespmem:$0x1E800] =	vst v63  }
.Ltmp1:
0x45: {  	_ =	swait.ge [sflag:s15], $0x4000;
	(pc) =	sbr.rel @p0 .LBB2_4-.Ltmp1, $4  }
0x46: {  	[sflag:s15] =	ssyncset.done $0x0  }
0x47: {  	[sflag:s15] =	ssyncadd.s32 $0xFFFFC000  }
0x48: {  	_ =	swait.ge [sflag:s16], $0x4000  }
0x49: {  	s20 =	smov.u32 s23;
	s19 =	sshra.s32 s22, $0x2;
	[sflag:s16] =	ssyncset.done $0x0  }
0x4a: {  	s20 =	sadd.s32 $0x14000, s19;
	[sflag:s16] =	ssyncadd.s32 $0xFFFFC000  }
0x4b: {  	[tilespmem:s13], [sflag:$0x1] =	stream.indirect.gather [hbm4b:s3+s12], $0x80, s20, s12, $0xb8;
	[tilespmem:$0x1E800] =	vst v63  }
0x4c: {  	s31 =	sadd.s32 $0x14100, s19  }
0x4d: {  	[tilespmem:s14], [sflag:$0x2] =	stream.indirect.gather [hbm4b:s3+s12], $0x80, s31, s12, $0xb8;
	[tilespmem:$0x1E800] =	vst v63  }
0x4e: {  	_ =	swait.ge [sflag:s15], $0x4000  }
0x4f: {  	[sflag:s15] =	ssyncset.done $0x0  }
0x50: {  	[sflag:s15] =	ssyncadd.s32 $0xFFFFC000  }
0x51: {  	_ =	swait.ge [sflag:s16], $0x4000  }
0x52: {  	s18 =	sadd.s32 $0x1, s18;
	[sflag:s16] =	ssyncset.done $0x0  }
0x53: {  	p0 =	sne.s32 s18, s8;
	[sflag:s16] =	ssyncadd.s32 $0xFFFFC000  }
.Ltmp2:
0x54: {  	[bflag:$0x0] =	sbarrier.arrive $0xFFFF;
	(pc) =	sbr.rel @p0 .LBB2_1-.Ltmp2, $4  }
0x55: {  	[hbm:s7], [sflag:s5] =	dma.local [spmem:s9], $0x2800  }
0x56: {  	_ =	swait.ge [sflag:s10], $0x2800  }
0x57: {  	[sflag:s10] =	ssyncset.done $0x0  }
0x58: {  	[sflag:s10] =	ssyncadd.s32 $0xFFFFD800  }
0x59: {  	_ =	sfence.sel $0x180000  }
0x5a: {  	[bflag:$0x0] =	sbarrier.arrive $0xFFFF  }
0x5b: {  	p0 =	sne.s32 s0, $0x0;
	_ =	strace $0x90000047  }
0x5c: {  	s0 =	sadd.s32 @!p0 $0x100000, s1;
	[bflag:$0x2] =	sbarrier.arrive $0xFFFF  }
0x5d: {  	[sflag:s0] =	ssyncadd.tile.s32 @!p0 $0x1;
	_ =	shalt  }
.Lfunc_end2:
_tile_overlayer_lowered:
.L_overlay_start_2:
0x5e: {  	(tag) =	ssettag $0x2  }
0x5f: {  	s0 =	rddreg [dreg:$0x0];
	s2 =	stileid.u32  }
0x60: {  	s1 =	rddreg [dreg:$0x1];
	p0 =	sne.s32 s2, $0x0  }
0x61: {  	s3 =	rddreg [dreg:$0x2];
	[bflag:$0x3] =	sbarrier.arrive $0xFFFF;
	s2 =	simm.s32 @!p0 $0x1C03  }
0x62: {  	[timem:s3], [sflag:s2] =	dma.local @!p0 [hbm:s0], s1  }
0x63: {  	s0 =	simm.s32 @!p0 $0x3  }
0x64: {  	_ =	swait.ge @!p0 [sflag:s0], s1  }
0x65: {  	s1 =	ssub.s32 @!p0 $0x0, s1;
	[sflag:s0] =	ssyncset.done @!p0 $0x0  }
0x66: {  	[sflag:s0] =	ssyncadd.s32 @!p0 s1  }
0x67: {  	[bflag:$0x3] =	sbarrier.arrive $0xFFFF  }
0x68: {  	_ =	shalt  }

// kernel: kernel.15.cloned.1.call-start
scs
__scs_entry_jumppad:
0x0: {  	(pc) =	sbr.rel $0x88, $3  }
0x1: {  	(tag) =	ssettag $0x0;
	lr =	simm.s32 $0x1  }
0x2: {  	[smem:$0x3F93] =	sst lr;
	_ =	strace $0xD0000000  }
0x3: {  	_ = 	snop  }
0x4: {  	_ = 	snop  }
0x5: {  	_ = 	snop  }
0x6: {  	_ = 	snop  }
0x7: {  	_ = 	snop  }
__scs_overlays_trampoline_lowered:
0x8: {  	[smem:$0x3FA2] =	sst s0  }
0x9: {  	[smem:$0x3FA3] =	sst s1  }
0xa: {  	[smem:$0x3FA4] =	sst s2  }
0xb: {  	[smem:$0x3FA5] =	sst s3  }
0xc: {  	[smem:$0x3FA6] =	sst s4  }
0xd: {  	[smem:$0x3FA7] =	sst s5  }
0xe: {  	[smem:$0x3FA8] =	sst s6  }
0xf: {  	[smem:$0x3FA9] =	sst s7  }
0x10: {  	[smem:$0x3FAA] =	sst s8  }
0x11: {  	[smem:$0x3FAB] =	sst s9;
	s0 =	simm.s32 @!p0 $0x0  }
0x12: {  	s1 =	sld [smem:$0x3F91];
	s0 =	simm.s32 @p0 $0x1  }
0x13: {  	[smem:$0x3FAC] =	sst s0;
	s0 =	simm.s32 @!p1 $0x0  }
0x14: {  	s2 =	sld [smem:$0x3F90];
	s0 =	simm.s32 @p1 $0x1  }
0x15: {  	[smem:$0x3FAD] =	sst s0;
	s0 =	simm.s32 @!p2 $0x0  }
0x16: {  	s3 =	sld [smem:$0x3FDB];
	s0 =	simm.s32 @p2 $0x1  }
0x17: {  	s4 =	simm.s32 $0x1BF5;
	[smem:$0x3FAF] =	sst s0  }
0x18: {  	s0 =	sld [smem:$0x3F92];
	_ =	swait.ge [sflag:s4], $0x0  }
0x19: {  	s7 =	sld [smem:$0x3F93]  }
0x1a: {  	s8 =	sadd.s32 $0xFFFFE003, lr  }
0x1b: {  	s9 =	sadd.s32 $0xFFFFFEF7, lr;
	s5 =	simm.s32 $0xFFFFFFFF;
	p2 =	slt.u32 s8, $0xFFFFF086  }
0x1c: {  	p1 =	slt.u32 s9, $0xF7A;
	s5 =	simm.s32 @!p2 $0x0  }
0x1d: {  	s5 =	simm.s32 @p1 $0x1;
	p0 =	seq.s32 s7, s2  }
0x1e: {  	s7 =	smul.u32 @!p0 $0xF7A, s2;
	p2 =	seq.s32 @!p0 s5, $0x0  }
0x1f: {  	s9 =	smul.u32 $0xF7A, s1;
	s8 =	simm.s32 @!p0 $0x1BF5;
	p2 =	por !p2, p0  }
0x20: {  	[sflag:s8] =	ssyncset.s32 @!p0 $0xFFFFF086;
	s6 =	sadd.s32 @!p0 s3, s7;
	s7 =	simm.s32 @!p0 $0x108  }
0x21: {  	s3 =	sadd.s32 s3, s9;
	s6 =	sadd.s32 @!p0 $0x88, s6;
	s7 =	simm.s32 @p2 $0x1082  }
0x22: {  	[simem:s7], [sflag:s8] =	dma.local @!p0 [hbm:s6], $0xF7A  }
0x23: {  	s9 =	sor.u32 $0xD0000000, s2;
	s6 =	simm.s32 $0x108;
	_ =	swait.ge @!p0 [sflag:s8], $0x0  }
0x24: {  	s3 =	sadd.s32 $0x88, s3;
	s6 =	simm.s32 @!p1 $0x1082;
	[sflag:s4] =	ssyncset.s32 $0xFFFFF086  }
0x25: {  	[simem:s6], [sflag:s4] =	dma.local [hbm:s3], $0xF7A  }
0x26: {  	[smem:$0x3F93] =	sst s1;
	(tag) =	ssettag s2;
	_ =	strace s9  }
0x27: {  	s1 =	sld [smem:$0x3FA3]  }
0x28: {  	s2 =	sld [smem:$0x3FA4]  }
0x29: {  	s4 =	sld [smem:$0x3FA6]  }
0x2a: {  	p0 =	seq.s32 s5, $0x0;
	s5 =	sld [smem:$0x3FA7]  }
0x2b: {  	s6 =	sld [smem:$0x3FA8]  }
0x2c: {  	s7 =	sld [smem:$0x3FA9]  }
0x2d: {  	s3 =	simm.s32 $0x108;
	s8 =	sld [smem:$0x3FAA]  }
0x2e: {  	s3 =	simm.s32 @!p0 $0x1082;
	s9 =	sld [smem:$0x3FAB]  }
0x2f: {  	lr =	sadd.s32 s0, s3;
	s0 =	sld [smem:$0x3FA2]  }
0x30: {  	s3 =	sld [smem:$0x3FA5]  }
0x31: {  	[smem:$0x3FAE] =	sst s10  }
0x32: {  	s10 =	sld [smem:$0x3FAC];
	_ =	sdelay $0x3  }
0x33: {  	p0 =	seq.s32 s10, $0x1;
	s10 =	sld [smem:$0x3FAE];
	_ =	sdelay $0x3  }
0x34: {  	[smem:$0x3FAE] =	sst s10  }
0x35: {  	s10 =	sld [smem:$0x3FAD];
	_ =	sdelay $0x3  }
0x36: {  	p1 =	seq.s32 s10, $0x1;
	s10 =	sld [smem:$0x3FAE];
	_ =	sdelay $0x3  }
0x37: {  	[smem:$0x3FAE] =	sst s10  }
0x38: {  	s10 =	sld [smem:$0x3FAF]  }
0x39: {  	_ = 	snop;
	(pc) =	sbr.ind lr, $3  }
0x3a: {  	_ = 	snop  }
0x3b: {  	_ = 	snop  }
0x3c: {  	p2 =	seq.s32 s10, $0x1;
	s10 =	sld [smem:$0x3FAE]  }
0x3d: {  	_ =	shalt  }
0x3e: {  	_ =	shalt  }
0x3f: {  	_ =	shalt  }
0x40: {  	_ =	shalt  }
0x41: {  	_ =	shalt  }
0x42: {  	_ =	shalt  }
0x43: {  	_ =	shalt  }
0x44: {  	_ =	shalt  }
0x45: {  	_ =	shalt  }
0x46: {  	_ =	shalt  }
0x47: {  	_ =	shalt  }
0x48: {  	_ =	shalt  }
0x49: {  	_ =	shalt  }
0x4a: {  	_ =	shalt  }
0x4b: {  	_ =	shalt  }
0x4c: {  	_ =	shalt  }
0x4d: {  	_ =	shalt  }
0x4e: {  	_ =	shalt  }
0x4f: {  	_ =	shalt  }
0x50: {  	_ =	shalt  }
0x51: {  	_ =	shalt  }
0x52: {  	_ =	shalt  }
0x53: {  	_ =	shalt  }
0x54: {  	_ =	shalt  }
0x55: {  	_ =	shalt  }
0x56: {  	_ =	shalt  }
0x57: {  	_ =	shalt  }
0x58: {  	_ =	shalt  }
0x59: {  	_ =	shalt  }
0x5a: {  	_ =	shalt  }
0x5b: {  	_ =	shalt  }
0x5c: {  	_ =	shalt  }
0x5d: {  	_ =	shalt  }
0x5e: {  	_ =	shalt  }
0x5f: {  	_ =	shalt  }
0x60: {  	_ =	shalt  }
0x61: {  	_ =	shalt  }
0x62: {  	_ =	shalt  }
0x63: {  	_ =	shalt  }
0x64: {  	_ =	shalt  }
0x65: {  	_ =	shalt  }
0x66: {  	_ =	shalt  }
0x67: {  	_ =	shalt  }
0x68: {  	_ =	shalt  }
0x69: {  	_ =	shalt  }
0x6a: {  	_ =	shalt  }
0x6b: {  	_ =	shalt  }
0x6c: {  	_ =	shalt  }
0x6d: {  	_ =	shalt  }
0x6e: {  	_ =	shalt  }
0x6f: {  	_ =	shalt  }
0x70: {  	_ =	shalt  }
0x71: {  	_ =	shalt  }
0x72: {  	_ =	shalt  }
0x73: {  	_ =	shalt  }
0x74: {  	_ =	shalt  }
0x75: {  	_ =	shalt  }
0x76: {  	_ =	shalt  }
0x77: {  	_ =	shalt  }
0x78: {  	_ =	shalt  }
0x79: {  	_ =	shalt  }
0x7a: {  	_ =	shalt  }
0x7b: {  	_ =	shalt  }
0x7c: {  	_ =	shalt  }
0x7d: {  	_ =	shalt  }
0x7e: {  	_ =	shalt  }
0x7f: {  	_ =	shalt  }
0x80: {  	_ =	shalt  }
0x81: {  	_ =	shalt  }
0x82: {  	_ =	shalt  }
0x83: {  	_ =	shalt  }
0x84: {  	_ =	shalt  }
0x85: {  	_ =	shalt  }
0x86: {  	_ =	shalt  }
0x87: {  	_ =	shalt  }
.Lfunc_end0:
.L_simem_size_0:
called_computation.1_lowered:
.L_overlay_start_0:
0x88: {  	s2 =	sld [smem:$0x3FD9]  }
0x89: {  	s3 =	sld [smem:$0x3FFE];
	_ =	sdelay $0x1  }
0x8a: {  	s1 =	srdreg.scid  }
0x8b: {  	s0 =	sand.u32 $0x1, s1  }
0x8c: {  	s16 =	sshll.u32 s0, $0xA;
	s2 =	sadd.s32 s3, s2  }
0x8d: {  	s2 =	sadd.s32 s2, s16  }
0x8e: {  	[smem:$0x3FBA] =	sst s2  }
0x8f: {  	_ = 	snop  }
0x90: {  	(tm) =	ssettm $0x1  }
0x91: {  	s17 =	sld [smem:$0x3FFB];
	_ =	sdelay $0x3  }
0x92: {  	_ =	strace s17  }
0x93: {  	s2 =	sld [smem:$0x3FFC];
	_ =	sdelay $0x3  }
0x94: {  	_ =	strace s2  }
0x95: {  	s2 =	sld [smem:$0x3FFD];
	_ =	sdelay $0x3  }
0x96: {  	_ =	strace s2  }
0x97: {  	_ =	strace $0x8FFFFFFF  }
0x98: {  	s18 =	sld [smem:$0x3FDB];
	_ =	sdelay $0x1  }
0x99: {  	s19 =	simm.s32 $_scs_section_size  }
0x9a: {  	s4 =	simm.s32 $_size__tile_overlayer_lowered;
	s5 =	simm.s32 $_tile_overlayer_lowered  }
0x9b: {  	s22 =	simm.s32 $0x1BFF;
	s21 =	sshll.u32 s5, $0x1;
	s2 =	sadd.s32 s19, s18  }
0x9c: {  	s6 =	simm.s32 $0x0;
	s20 =	sshll.u32 s4, $0x1;
	s4 =	sadd.s32 s21, s2  }
0x9d: {  	[timem:s6], [sflag:s22] =	dma.local [hbm:s4], s20  }
0x9e: {  	_ =	swait.ge [sflag:s22], s20  }
0x9f: {  	s3 =	ssub.s32 $0x0, s20;
	[sflag:s22] =	ssyncset.done $0x0  }
0xa0: {  	[sflag:s22] =	ssyncadd.s32 s3;
	_ =	sdelay $0x1  }
0xa1: {  	s23 =	simm.s32 $0x1B8B  }
0xa2: {  	_ =	swait.ge [sflag:s23], $0x1  }
0xa3: {  	[sflag:s23] =	ssyncset.done $0x0  }
0xa4: {  	s25 =	simm.s32 $0x1B8E;
	s24 =	sld [smem:$0x3FFE];
	[sflag:s23] =	ssyncadd.s32 $0xFFFFFFFF  }
0xa5: {  	s26 =	simm.s32 $execute0_lowered;
	[smem:$0x3FD2] =	sst s25  }
0xa6: {  	s4 =	sshll.u32 s26, $0x1;
	_ =	strace $0x80000049;
	[dreg:$0x1] =	wrdreg $0xFFFFFFFF  }
0xa7: {  	s28 =	simm.s32 $_size_execute0_lowered;
	s2 =	sadd.s32 s2, s4;
	[dreg:$0x0] =	wrdreg $0x0  }
0xa8: {  	s4 =	sshll.u32 s28, $0x1;
	[dreg:$0x2] =	wrdreg s2  }
0xa9: {  	[dreg:$0x3] =	wrdreg s4  }
0xaa: {  	[dreg:$0x4] =	wrdreg $0xC0  }
0xab: {  	_ =	task [dreg:s6], $0x5FFFF  }
0xac: {  	[dreg:$0x1] =	wrdreg $0xFFFFFFFF  }
0xad: {  	[dreg:$0x0] =	wrdreg $0x60  }
0xae: {  	[dreg:$0x2] =	wrdreg s24  }
0xaf: {  	[dreg:$0x3] =	wrdreg $0x0  }
0xb0: {  	[dreg:$0x4] =	wrdreg $0x9  }
0xb1: {  	_ =	task.clear_ibuf [dreg:s6], $0x5FFFF;
	_ =	strace $0x90000049  }
0xb2: {  	s29 =	simm.s32 $0x9;
	_ =	strace $0x8000004B  }
0xb3: {  	_ =	swait.ge [sflag:s29], $0x1  }
0xb4: {  	[sflag:s29] =	ssyncadd.s32 $0xFFFFFFFF  }
0xb5: {  	_ =	strace $0x9000004B  }
0xb6: {  	_ =	sfence  }
0xb7: {  	s30 =	sld [smem:$0x0];
	_ =	sdelay $0x2  }
0xb8: {  	s31 =	sshll.u32 s1, $0xD;
	s1 =	sshrl.u32 s1, $0x2  }
0xb9: {  	s3 =	sand.u32 $0x4000, s31;
	s1 =	sadd.s32 s1, s30  }
0xba: {  	s0 =	sor.u32 s3, s0;
	s1 =	sshll.u32 s1, $0x11  }
0xbb: {  	s0 =	sor.u32 s1, s0  }
0xbc: {  	s0 =	sadd.s32 $0x8F2B, s0  }
0xbd: {  	[sflag:s0] =	ssyncadd.remote.s32 $0x1  }
0xbe: {  	_ =	sfence.sel $0xFFFF  }
0xbf: {  	[dreg:$0x0] =	wrdreg $0xFFFFFFFF;
	(pc) =	sbr.abs _section_cstart, $3  }
0xc0: {  	[dreg:$0x1] =	wrdreg $0xFFFFFFFF  }
0xc1: {  	_ =	task.clear_ibuf [dreg:s6], $0x2FFFF;
	_ =	strace $0x9FFFFFFF  }
0xc2: {  	(tm) =	ssettm $0x7FFFFFFF  }
0xc3: {  	_ =	shalt  }
tec
execute0_lowered:
.L_overlay_start_1:
0x0: {  	(tag) =	ssettag $0x1  }
0x1: {  	s1 =	srdreg.scid;
	s4 =	rddreg [dreg:$0x0]  }
0x2: {  	s0 =	stileid.u32;
	s6 =	rddreg [dreg:$0x1];
	s2 =	simm.s32 $0x0  }
0x3: {  	s12 =	simm.s32 $0x80;
	s13 =	simm.s32 $0x16800;
	s14 =	simm.s32 $0x1A800  }
0x4: {  	s15 =	simm.s32 $0x1;
	s16 =	simm.s32 $0x2;
	s18 =	simm.s32 $0x0  }
0x5: {  	s5 =	sand.u32 $0x1, s1;
	s1 =	rddreg [dreg:$0x2];
	s8 =	smul.u32 $0x2800, s0  }
0x6: {  	s26 =	sshll.u32 s0, $0x1;
	[smem:$0x7FF] =	sst s2;
	s10 =	smul.u32 $0x50000, s0  }
0x7: {  	s31 =	sshll.u32 s0, $0x6;
	s3 =	sor.u32 s5, s26;
	s9 =	smul.u32 $0x28000, s5  }
0x8: {  	_ =	strace $0x8000004A;
	s5 =	ssub.s32 $0x2, s5;
	s7 =	smul.u32 $0xA00, s3  }
0x9: {  	s3 =	sadd.s32 $0x19800, s4;
	s11 =	sadd.s32 s8, s4;
	s28 =	sshrl.u32 s5, $0x1  }
0xa: {  	s29 =	sshrl.u32 s10, $0x2;
	s10 =	simm.s32 $0x3;
	s8 =	sadd.s32 s8, s9  }
0xb: {  	s30 =	ssub.s32 s5, s28;
	s9 =	sadd.s32 s29, s6;
	s5 =	sor.u32 $0x1C03, s31  }
0xc: {  	s7 =	sadd.s32 s7, s4;
	s8 =	sadd.s32 s8, s4;
	s4 =	sadd.s32 $0x40A00, s11  }
0xd: {  	s9 =	sshrl.u32 s9, $0x3;
	s11 =	simm.s32 $0x14000;
	s6 =	sadd.s32 $0x5800, s7  }
0xe: {  	s7 =	sadd.s32 $0x68A00, s8;
	s8 =	smax.u32 s30, $0x1;
	s17 =	sadd.s32 $0x500, s6  }
.LBB2_1:
0xf: {  	[spmem:s9], [sflag:s5] =	dma.local [hbm:s4], $0x2800  }
0x10: {  	_ =	swait.ge [sflag:s10], $0x2800  }
0x11: {  	[sflag:s10] =	ssyncset.done $0x0  }
0x12: {  	[sflag:s10] =	ssyncadd.s32 $0xFFFFD800  }
0x13: {  	[bflag:$0x0] =	sbarrier.arrive $0xFFFF  }
0x14: {  	[tilespmem:s11], [sflag:$0x3] =	stream.linear.gather [hbm4b:s6+s2], $0x2800, $0x38;
	[tilespmem:$0x1E800] =	vst v63  }
0x15: {  	_ =	swait.ge [sflag:s10], $0x2800  }
0x16: {  	[sflag:s10] =	ssyncset.done $0x0  }
0x17: {  	s19 =	simm.s32 $0x14000;
	[sflag:s10] =	ssyncadd.s32 $0xFFFFD800  }
0x18: {  	[tilespmem:s13], [sflag:$0x1] =	stream.indirect.gather [hbm4b:s3+s12], $0x80, s19, s12, $0xb8;
	[tilespmem:$0x1E800] =	vst v63  }
0x19: {  	s31 =	simm.s32 $0x14100  }
0x1a: {  	[tilespmem:s14], [sflag:$0x2] =	stream.indirect.gather [hbm4b:s3+s12], $0x80, s31, s12, $0xb8;
	[tilespmem:$0x1E800] =	vst v63  }
0x1b: {  	_ =	swait.ge [sflag:s15], $0x4000  }
0x1c: {  	[sflag:s15] =	ssyncset.done $0x0  }
0x1d: {  	[sflag:s15] =	ssyncadd.s32 $0xFFFFC000  }
0x1e: {  	_ =	swait.ge [sflag:s16], $0x4000  }
0x1f: {  	s20 =	simm.s32 $0x1000;
	s19 =	simm.s32 $0x200;
	[sflag:s16] =	ssyncset.done $0x0  }
.LBB2_2:
0x20: {  	s21 =	sadd.s32 $0x14000, s19  }
0x21: {  	[sflag:s16] =	ssyncadd.s32 $0xFFFFC000;
	s22 =	smov.u32 s20;
	s23 =	sadd.s32 $0x800, s20  }
0x22: {  	[tilespmem:s13], [sflag:$0x1] =	stream.indirect.gather [hbm4b:s3+s12], $0x80, s21, s12, $0xb8;
	[tilespmem:$0x1E800] =	vst v63  }
0x23: {  	p0 =	sne.s32 s20, $0x9800;
	s19 =	sadd.s32 $0x14100, s19  }
0x24: {  	[tilespmem:s14], [sflag:$0x2] =	stream.indirect.gather [hbm4b:s3+s12], $0x80, s19, s12, $0xb8;
	[tilespmem:$0x1E800] =	vst v63  }
.Ltmp0:
0x25: {  	_ =	swait.ge [sflag:s15], $0x4000;
	(pc) =	sbr.rel @p0 .LBB2_2-.Ltmp0, $4  }
0x26: {  	[sflag:s15] =	ssyncset.done $0x0  }
0x27: {  	[sflag:s15] =	ssyncadd.s32 $0xFFFFC000  }
0x28: {  	_ =	swait.ge [sflag:s16], $0x4000  }
0x29: {  	s20 =	smov.u32 s23;
	s19 =	sshra.s32 s22, $0x2;
	[sflag:s16] =	ssyncset.done $0x0  }
0x2a: {  	s20 =	sadd.s32 $0x14000, s19;
	[sflag:s16] =	ssyncadd.s32 $0xFFFFC000  }
0x2b: {  	[tilespmem:s13], [sflag:$0x1] =	stream.indirect.gather [hbm4b:s3+s12], $0x80, s20, s12, $0xb8;
	[tilespmem:$0x1E800] =	vst v63  }
0x2c: {  	s28 =	sadd.s32 $0x14100, s19  }
0x2d: {  	[tilespmem:s14], [sflag:$0x2] =	stream.indirect.gather [hbm4b:s3+s12], $0x80, s28, s12, $0xb8;
	[tilespmem:$0x1E800] =	vst v63  }
0x2e: {  	_ =	swait.ge [sflag:s15], $0x4000  }
0x2f: {  	[sflag:s15] =	ssyncset.done $0x0  }
0x30: {  	[sflag:s15] =	ssyncadd.s32 $0xFFFFC000  }
0x31: {  	_ =	swait.ge [sflag:s16], $0x4000  }
0x32: {  	[sflag:s16] =	ssyncset.done $0x0  }
0x33: {  	s29 =	simm.s32 $0x0;
	[sflag:s16] =	ssyncadd.s32 $0xFFFFC000  }
0x34: {  	[tilespmem:s11], [sflag:$0x3] =	stream.linear.gather [hbm4b:s17+s29], $0x2800, $0x38;
	[tilespmem:$0x1E800] =	vst v63  }
0x35: {  	_ =	swait.ge [sflag:s10], $0x2800  }
0x36: {  	[sflag:s10] =	ssyncset.done $0x0  }
0x37: {  	s30 =	simm.s32 $0x14000;
	[sflag:s10] =	ssyncadd.s32 $0xFFFFD800  }
0x38: {  	[tilespmem:s13], [sflag:$0x1] =	stream.indirect.gather [hbm4b:s3+s12], $0x80, s30, s12, $0xb8;
	[tilespmem:$0x1E800] =	vst v63  }
0x39: {  	s31 =	simm.s32 $0x14100  }
0x3a: {  	[tilespmem:s14], [sflag:$0x2] =	stream.indirect.gather [hbm4b:s3+s12], $0x80, s31, s12, $0xb8;
	[tilespmem:$0x1E800] =	vst v63  }
0x3b: {  	_ =	swait.ge [sflag:s15], $0x4000  }
0x3c: {  	[sflag:s15] =	ssyncset.done $0x0  }
0x3d: {  	[sflag:s15] =	ssyncadd.s32 $0xFFFFC000  }
0x3e: {  	_ =	swait.ge [sflag:s16], $0x4000  }
0x3f: {  	s19 =	simm.s32 $0x200;
	s20 =	simm.s32 $0x1000;
	[sflag:s16] =	ssyncset.done $0x0  }
.LBB2_4:
0x40: {  	s21 =	sadd.s32 $0x14000, s19  }
0x41: {  	[sflag:s16] =	ssyncadd.s32 $0xFFFFC000;
	s22 =	smov.u32 s20;
	s23 =	sadd.s32 $0x800, s20  }
0x42: {  	[tilespmem:s13], [sflag:$0x1] =	stream.indirect.gather [hbm4b:s3+s12], $0x80, s21, s12, $0xb8;
	[tilespmem:$0x1E800] =	vst v63  }
0x43: {  	p0 =	sne.s32 s20, $0x9800;
	s19 =	sadd.s32 $0x14100, s19  }
0x44: {  	[tilespmem:s14], [sflag:$0x2] =	stream.indirect.gather [hbm4b:s3+s12], $0x80, s19, s12, $0xb8;
	[tilespmem:$0x1E800] =	vst v63  }
.Ltmp1:
0x45: {  	_ =	swait.ge [sflag:s15], $0x4000;
	(pc) =	sbr.rel @p0 .LBB2_4-.Ltmp1, $4  }
0x46: {  	[sflag:s15] =	ssyncset.done $0x0  }
0x47: {  	[sflag:s15] =	ssyncadd.s32 $0xFFFFC000  }
0x48: {  	_ =	swait.ge [sflag:s16], $0x4000  }
0x49: {  	s20 =	smov.u32 s23;
	s19 =	sshra.s32 s22, $0x2;
	[sflag:s16] =	ssyncset.done $0x0  }
0x4a: {  	s20 =	sadd.s32 $0x14000, s19;
	[sflag:s16] =	ssyncadd.s32 $0xFFFFC000  }
0x4b: {  	[tilespmem:s13], [sflag:$0x1] =	stream.indirect.gather [hbm4b:s3+s12], $0x80, s20, s12, $0xb8;
	[tilespmem:$0x1E800] =	vst v63  }
0x4c: {  	s31 =	sadd.s32 $0x14100, s19  }
0x4d: {  	[tilespmem:s14], [sflag:$0x2] =	stream.indirect.gather [hbm4b:s3+s12], $0x80, s31, s12, $0xb8;
	[tilespmem:$0x1E800] =	vst v63  }
0x4e: {  	_ =	swait.ge [sflag:s15], $0x4000  }
0x4f: {  	[sflag:s15] =	ssyncset.done $0x0  }
0x50: {  	[sflag:s15] =	ssyncadd.s32 $0xFFFFC000  }
0x51: {  	_ =	swait.ge [sflag:s16], $0x4000  }
0x52: {  	s18 =	sadd.s32 $0x1, s18;
	[sflag:s16] =	ssyncset.done $0x0  }
0x53: {  	p0 =	sne.s32 s18, s8;
	[sflag:s16] =	ssyncadd.s32 $0xFFFFC000  }
.Ltmp2:
0x54: {  	[bflag:$0x0] =	sbarrier.arrive $0xFFFF;
	(pc) =	sbr.rel @p0 .LBB2_1-.Ltmp2, $4  }
0x55: {  	[hbm:s7], [sflag:s5] =	dma.local [spmem:s9], $0x2800  }
0x56: {  	_ =	swait.ge [sflag:s10], $0x2800  }
0x57: {  	[sflag:s10] =	ssyncset.done $0x0  }
0x58: {  	[sflag:s10] =	ssyncadd.s32 $0xFFFFD800  }
0x59: {  	_ =	sfence.sel $0x180000  }
0x5a: {  	[bflag:$0x0] =	sbarrier.arrive $0xFFFF  }
0x5b: {  	p0 =	sne.s32 s0, $0x0;
	_ =	strace $0x9000004A  }
0x5c: {  	s0 =	sadd.s32 @!p0 $0x100000, s1;
	[bflag:$0x2] =	sbarrier.arrive $0xFFFF  }
0x5d: {  	[sflag:s0] =	ssyncadd.tile.s32 @!p0 $0x1;
	_ =	shalt  }
.Lfunc_end2:
_tile_overlayer_lowered:
.L_overlay_start_2:
0x5e: {  	(tag) =	ssettag $0x2  }
0x5f: {  	s0 =	rddreg [dreg:$0x0];
	s2 =	stileid.u32  }
0x60: {  	s1 =	rddreg [dreg:$0x1];
	p0 =	sne.s32 s2, $0x0  }
0x61: {  	s3 =	rddreg [dreg:$0x2];
	[bflag:$0x3] =	sbarrier.arrive $0xFFFF;
	s2 =	simm.s32 @!p0 $0x1C03  }
0x62: {  	[timem:s3], [sflag:s2] =	dma.local @!p0 [hbm:s0], s1  }
0x63: {  	s0 =	simm.s32 @!p0 $0x3  }
0x64: {  	_ =	swait.ge @!p0 [sflag:s0], s1  }
0x65: {  	s1 =	ssub.s32 @!p0 $0x0, s1;
	[sflag:s0] =	ssyncset.done @!p0 $0x0  }
0x66: {  	[sflag:s0] =	ssyncadd.s32 @!p0 s1  }
0x67: {  	[bflag:$0x3] =	sbarrier.arrive $0xFFFF  }
0x68: {  	_ =	shalt  }

// kernel: kernel.18.cloned.1.call-start
scs
__scs_entry_jumppad:
0x0: {  	(pc) =	sbr.rel $0x88, $3  }
0x1: {  	(tag) =	ssettag $0x0;
	lr =	simm.s32 $0x1  }
0x2: {  	[smem:$0x3F93] =	sst lr;
	_ =	strace $0xD0000000  }
0x3: {  	_ = 	snop  }
0x4: {  	_ = 	snop  }
0x5: {  	_ = 	snop  }
0x6: {  	_ = 	snop  }
0x7: {  	_ = 	snop  }
__scs_overlays_trampoline_lowered:
0x8: {  	[smem:$0x3FA2] =	sst s0  }
0x9: {  	[smem:$0x3FA3] =	sst s1  }
0xa: {  	[smem:$0x3FA4] =	sst s2  }
0xb: {  	[smem:$0x3FA5] =	sst s3  }
0xc: {  	[smem:$0x3FA6] =	sst s4  }
0xd: {  	[smem:$0x3FA7] =	sst s5  }
0xe: {  	[smem:$0x3FA8] =	sst s6  }
0xf: {  	[smem:$0x3FA9] =	sst s7  }
0x10: {  	[smem:$0x3FAA] =	sst s8  }
0x11: {  	[smem:$0x3FAB] =	sst s9;
	s0 =	simm.s32 @!p0 $0x0  }
0x12: {  	s1 =	sld [smem:$0x3F91];
	s0 =	simm.s32 @p0 $0x1  }
0x13: {  	[smem:$0x3FAC] =	sst s0;
	s0 =	simm.s32 @!p1 $0x0  }
0x14: {  	s2 =	sld [smem:$0x3F90];
	s0 =	simm.s32 @p1 $0x1  }
0x15: {  	[smem:$0x3FAD] =	sst s0;
	s0 =	simm.s32 @!p2 $0x0  }
0x16: {  	s3 =	sld [smem:$0x3FDB];
	s0 =	simm.s32 @p2 $0x1  }
0x17: {  	s4 =	simm.s32 $0x1BF5;
	[smem:$0x3FAF] =	sst s0  }
0x18: {  	s0 =	sld [smem:$0x3F92];
	_ =	swait.ge [sflag:s4], $0x0  }
0x19: {  	s7 =	sld [smem:$0x3F93]  }
0x1a: {  	s8 =	sadd.s32 $0xFFFFE003, lr  }
0x1b: {  	s9 =	sadd.s32 $0xFFFFFEF7, lr;
	s5 =	simm.s32 $0xFFFFFFFF;
	p2 =	slt.u32 s8, $0xFFFFF086  }
0x1c: {  	p1 =	slt.u32 s9, $0xF7A;
	s5 =	simm.s32 @!p2 $0x0  }
0x1d: {  	s5 =	simm.s32 @p1 $0x1;
	p0 =	seq.s32 s7, s2  }
0x1e: {  	s7 =	smul.u32 @!p0 $0xF7A, s2;
	p2 =	seq.s32 @!p0 s5, $0x0  }
0x1f: {  	s9 =	smul.u32 $0xF7A, s1;
	s8 =	simm.s32 @!p0 $0x1BF5;
	p2 =	por !p2, p0  }
0x20: {  	[sflag:s8] =	ssyncset.s32 @!p0 $0xFFFFF086;
	s6 =	sadd.s32 @!p0 s3, s7;
	s7 =	simm.s32 @!p0 $0x108  }
0x21: {  	s3 =	sadd.s32 s3, s9;
	s6 =	sadd.s32 @!p0 $0x88, s6;
	s7 =	simm.s32 @p2 $0x1082  }
0x22: {  	[simem:s7], [sflag:s8] =	dma.local @!p0 [hbm:s6], $0xF7A  }
0x23: {  	s9 =	sor.u32 $0xD0000000, s2;
	s6 =	simm.s32 $0x108;
	_ =	swait.ge @!p0 [sflag:s8], $0x0  }
0x24: {  	s3 =	sadd.s32 $0x88, s3;
	s6 =	simm.s32 @!p1 $0x1082;
	[sflag:s4] =	ssyncset.s32 $0xFFFFF086  }
0x25: {  	[simem:s6], [sflag:s4] =	dma.local [hbm:s3], $0xF7A  }
0x26: {  	[smem:$0x3F93] =	sst s1;
	(tag) =	ssettag s2;
	_ =	strace s9  }
0x27: {  	s1 =	sld [smem:$0x3FA3]  }
0x28: {  	s2 =	sld [smem:$0x3FA4]  }
0x29: {  	s4 =	sld [smem:$0x3FA6]  }
0x2a: {  	p0 =	seq.s32 s5, $0x0;
	s5 =	sld [smem:$0x3FA7]  }
0x2b: {  	s6 =	sld [smem:$0x3FA8]  }
0x2c: {  	s7 =	sld [smem:$0x3FA9]  }
0x2d: {  	s3 =	simm.s32 $0x108;
	s8 =	sld [smem:$0x3FAA]  }
0x2e: {  	s3 =	simm.s32 @!p0 $0x1082;
	s9 =	sld [smem:$0x3FAB]  }
0x2f: {  	lr =	sadd.s32 s0, s3;
	s0 =	sld [smem:$0x3FA2]  }
0x30: {  	s3 =	sld [smem:$0x3FA5]  }
0x31: {  	[smem:$0x3FAE] =	sst s10  }
0x32: {  	s10 =	sld [smem:$0x3FAC];
	_ =	sdelay $0x3  }
0x33: {  	p0 =	seq.s32 s10, $0x1;
	s10 =	sld [smem:$0x3FAE];
	_ =	sdelay $0x3  }
0x34: {  	[smem:$0x3FAE] =	sst s10  }
0x35: {  	s10 =	sld [smem:$0x3FAD];
	_ =	sdelay $0x3  }
0x36: {  	p1 =	seq.s32 s10, $0x1;
	s10 =	sld [smem:$0x3FAE];
	_ =	sdelay $0x3  }
0x37: {  	[smem:$0x3FAE] =	sst s10  }
0x38: {  	s10 =	sld [smem:$0x3FAF]  }
0x39: {  	_ = 	snop;
	(pc) =	sbr.ind lr, $3  }
0x3a: {  	_ = 	snop  }
0x3b: {  	_ = 	snop  }
0x3c: {  	p2 =	seq.s32 s10, $0x1;
	s10 =	sld [smem:$0x3FAE]  }
0x3d: {  	_ =	shalt  }
0x3e: {  	_ =	shalt  }
0x3f: {  	_ =	shalt  }
0x40: {  	_ =	shalt  }
0x41: {  	_ =	shalt  }
0x42: {  	_ =	shalt  }
0x43: {  	_ =	shalt  }
0x44: {  	_ =	shalt  }
0x45: {  	_ =	shalt  }
0x46: {  	_ =	shalt  }
0x47: {  	_ =	shalt  }
0x48: {  	_ =	shalt  }
0x49: {  	_ =	shalt  }
0x4a: {  	_ =	shalt  }
0x4b: {  	_ =	shalt  }
0x4c: {  	_ =	shalt  }
0x4d: {  	_ =	shalt  }
0x4e: {  	_ =	shalt  }
0x4f: {  	_ =	shalt  }
0x50: {  	_ =	shalt  }
0x51: {  	_ =	shalt  }
0x52: {  	_ =	shalt  }
0x53: {  	_ =	shalt  }
0x54: {  	_ =	shalt  }
0x55: {  	_ =	shalt  }
0x56: {  	_ =	shalt  }
0x57: {  	_ =	shalt  }
0x58: {  	_ =	shalt  }
0x59: {  	_ =	shalt  }
0x5a: {  	_ =	shalt  }
0x5b: {  	_ =	shalt  }
0x5c: {  	_ =	shalt  }
0x5d: {  	_ =	shalt  }
0x5e: {  	_ =	shalt  }
0x5f: {  	_ =	shalt  }
0x60: {  	_ =	shalt  }
0x61: {  	_ =	shalt  }
0x62: {  	_ =	shalt  }
0x63: {  	_ =	shalt  }
0x64: {  	_ =	shalt  }
0x65: {  	_ =	shalt  }
0x66: {  	_ =	shalt  }
0x67: {  	_ =	shalt  }
0x68: {  	_ =	shalt  }
0x69: {  	_ =	shalt  }
0x6a: {  	_ =	shalt  }
0x6b: {  	_ =	shalt  }
0x6c: {  	_ =	shalt  }
0x6d: {  	_ =	shalt  }
0x6e: {  	_ =	shalt  }
0x6f: {  	_ =	shalt  }
0x70: {  	_ =	shalt  }
0x71: {  	_ =	shalt  }
0x72: {  	_ =	shalt  }
0x73: {  	_ =	shalt  }
0x74: {  	_ =	shalt  }
0x75: {  	_ =	shalt  }
0x76: {  	_ =	shalt  }
0x77: {  	_ =	shalt  }
0x78: {  	_ =	shalt  }
0x79: {  	_ =	shalt  }
0x7a: {  	_ =	shalt  }
0x7b: {  	_ =	shalt  }
0x7c: {  	_ =	shalt  }
0x7d: {  	_ =	shalt  }
0x7e: {  	_ =	shalt  }
0x7f: {  	_ =	shalt  }
0x80: {  	_ =	shalt  }
0x81: {  	_ =	shalt  }
0x82: {  	_ =	shalt  }
0x83: {  	_ =	shalt  }
0x84: {  	_ =	shalt  }
0x85: {  	_ =	shalt  }
0x86: {  	_ =	shalt  }
0x87: {  	_ =	shalt  }
.Lfunc_end0:
.L_simem_size_0:
called_computation.2_lowered:
.L_overlay_start_0:
0x88: {  	s2 =	sld [smem:$0x3FD9]  }
0x89: {  	s3 =	sld [smem:$0x3FFE];
	_ =	sdelay $0x1  }
0x8a: {  	s1 =	srdreg.scid  }
0x8b: {  	s0 =	sand.u32 $0x1, s1  }
0x8c: {  	s16 =	sshll.u32 s0, $0xA;
	s2 =	sadd.s32 s3, s2  }
0x8d: {  	s2 =	sadd.s32 s2, s16  }
0x8e: {  	[smem:$0x3FBA] =	sst s2  }
0x8f: {  	_ = 	snop  }
0x90: {  	(tm) =	ssettm $0x1  }
0x91: {  	s17 =	sld [smem:$0x3FFB];
	_ =	sdelay $0x3  }
0x92: {  	_ =	strace s17  }
0x93: {  	s2 =	sld [smem:$0x3FFC];
	_ =	sdelay $0x3  }
0x94: {  	_ =	strace s2  }
0x95: {  	s2 =	sld [smem:$0x3FFD];
	_ =	sdelay $0x3  }
0x96: {  	_ =	strace s2  }
0x97: {  	_ =	strace $0x8FFFFFFF  }
0x98: {  	s18 =	sld [smem:$0x3FDB];
	_ =	sdelay $0x1  }
0x99: {  	s19 =	simm.s32 $_scs_section_size  }
0x9a: {  	s4 =	simm.s32 $_size__tile_overlayer_lowered;
	s5 =	simm.s32 $_tile_overlayer_lowered  }
0x9b: {  	s22 =	simm.s32 $0x1BFF;
	s21 =	sshll.u32 s5, $0x1;
	s2 =	sadd.s32 s19, s18  }
0x9c: {  	s6 =	simm.s32 $0x0;
	s20 =	sshll.u32 s4, $0x1;
	s4 =	sadd.s32 s21, s2  }
0x9d: {  	[timem:s6], [sflag:s22] =	dma.local [hbm:s4], s20  }
0x9e: {  	_ =	swait.ge [sflag:s22], s20  }
0x9f: {  	s3 =	ssub.s32 $0x0, s20;
	[sflag:s22] =	ssyncset.done $0x0  }
0xa0: {  	[sflag:s22] =	ssyncadd.s32 s3;
	_ =	sdelay $0x1  }
0xa1: {  	s23 =	simm.s32 $0x1B8B  }
0xa2: {  	_ =	swait.ge [sflag:s23], $0x1  }
0xa3: {  	[sflag:s23] =	ssyncset.done $0x0  }
0xa4: {  	s25 =	simm.s32 $0x1B8E;
	s24 =	sld [smem:$0x3FFE];
	[sflag:s23] =	ssyncadd.s32 $0xFFFFFFFF  }
0xa5: {  	s26 =	simm.s32 $execute0_lowered;
	[smem:$0x3FD2] =	sst s25  }
0xa6: {  	s4 =	sshll.u32 s26, $0x1;
	_ =	strace $0x8000004C;
	[dreg:$0x1] =	wrdreg $0xFFFFFFFF  }
0xa7: {  	s28 =	simm.s32 $_size_execute0_lowered;
	s2 =	sadd.s32 s2, s4;
	[dreg:$0x0] =	wrdreg $0x0  }
0xa8: {  	s4 =	sshll.u32 s28, $0x1;
	[dreg:$0x2] =	wrdreg s2  }
0xa9: {  	[dreg:$0x3] =	wrdreg s4  }
0xaa: {  	[dreg:$0x4] =	wrdreg $0xC0  }
0xab: {  	_ =	task [dreg:s6], $0x5FFFF  }
0xac: {  	[dreg:$0x1] =	wrdreg $0xFFFFFFFF  }
0xad: {  	[dreg:$0x0] =	wrdreg $0x60  }
0xae: {  	[dreg:$0x2] =	wrdreg s24  }
0xaf: {  	[dreg:$0x3] =	wrdreg $0x0  }
0xb0: {  	[dreg:$0x4] =	wrdreg $0x9  }
0xb1: {  	_ =	task.clear_ibuf [dreg:s6], $0x5FFFF;
	_ =	strace $0x9000004C  }
0xb2: {  	s29 =	simm.s32 $0x9;
	_ =	strace $0x8000004E  }
0xb3: {  	_ =	swait.ge [sflag:s29], $0x1  }
0xb4: {  	[sflag:s29] =	ssyncadd.s32 $0xFFFFFFFF  }
0xb5: {  	_ =	strace $0x9000004E  }
0xb6: {  	_ =	sfence  }
0xb7: {  	s30 =	sld [smem:$0x0];
	_ =	sdelay $0x2  }
0xb8: {  	s31 =	sshll.u32 s1, $0xD;
	s1 =	sshrl.u32 s1, $0x2  }
0xb9: {  	s3 =	sand.u32 $0x4000, s31;
	s1 =	sadd.s32 s1, s30  }
0xba: {  	s0 =	sor.u32 s3, s0;
	s1 =	sshll.u32 s1, $0x11  }
0xbb: {  	s0 =	sor.u32 s1, s0  }
0xbc: {  	s0 =	sadd.s32 $0x8F2B, s0  }
0xbd: {  	[sflag:s0] =	ssyncadd.remote.s32 $0x1  }
0xbe: {  	_ =	sfence.sel $0xFFFF  }
0xbf: {  	[dreg:$0x0] =	wrdreg $0xFFFFFFFF;
	(pc) =	sbr.abs _section_cstart, $3  }
0xc0: {  	[dreg:$0x1] =	wrdreg $0xFFFFFFFF  }
0xc1: {  	_ =	task.clear_ibuf [dreg:s6], $0x2FFFF;
	_ =	strace $0x9FFFFFFF  }
0xc2: {  	(tm) =	ssettm $0x7FFFFFFF  }
0xc3: {  	_ =	shalt  }
tec
execute0_lowered:
.L_overlay_start_1:
0x0: {  	(tag) =	ssettag $0x1  }
0x1: {  	s1 =	srdreg.scid;
	s4 =	rddreg [dreg:$0x0]  }
0x2: {  	s0 =	stileid.u32;
	s6 =	rddreg [dreg:$0x1];
	s2 =	simm.s32 $0x0  }
0x3: {  	s12 =	simm.s32 $0x80;
	s13 =	simm.s32 $0x16800;
	s14 =	simm.s32 $0x1A800  }
0x4: {  	s15 =	simm.s32 $0x1;
	s16 =	simm.s32 $0x2;
	s18 =	simm.s32 $0x0  }
0x5: {  	s5 =	sand.u32 $0x1, s1;
	s1 =	rddreg [dreg:$0x2];
	s8 =	smul.u32 $0x2800, s0  }
0x6: {  	s26 =	sshll.u32 s0, $0x1;
	[smem:$0x7FF] =	sst s2;
	s10 =	smul.u32 $0x50000, s0  }
0x7: {  	s31 =	sshll.u32 s0, $0x6;
	s3 =	sor.u32 s5, s26;
	s9 =	smul.u32 $0x28000, s5  }
0x8: {  	_ =	strace $0x8000004D;
	s5 =	ssub.s32 $0x2, s5;
	s7 =	smul.u32 $0xA00, s3  }
0x9: {  	s3 =	sadd.s32 $0x19800, s4;
	s11 =	sadd.s32 s8, s4;
	s28 =	sshrl.u32 s5, $0x1  }
0xa: {  	s29 =	sshrl.u32 s10, $0x2;
	s10 =	simm.s32 $0x3;
	s8 =	sadd.s32 s8, s9  }
0xb: {  	s30 =	ssub.s32 s5, s28;
	s9 =	sadd.s32 s29, s6;
	s5 =	sor.u32 $0x1C03, s31  }
0xc: {  	s7 =	sadd.s32 s7, s4;
	s8 =	sadd.s32 s8, s4;
	s4 =	sadd.s32 $0x40A00, s11  }
0xd: {  	s9 =	sshrl.u32 s9, $0x3;
	s11 =	simm.s32 $0x14000;
	s6 =	sadd.s32 $0x5800, s7  }
0xe: {  	s7 =	sadd.s32 $0x68A00, s8;
	s8 =	smax.u32 s30, $0x1;
	s17 =	sadd.s32 $0x500, s6  }
.LBB2_1:
0xf: {  	[spmem:s9], [sflag:s5] =	dma.local [hbm:s4], $0x2800  }
0x10: {  	_ =	swait.ge [sflag:s10], $0x2800  }
0x11: {  	[sflag:s10] =	ssyncset.done $0x0  }
0x12: {  	[sflag:s10] =	ssyncadd.s32 $0xFFFFD800  }
0x13: {  	[bflag:$0x0] =	sbarrier.arrive $0xFFFF  }
0x14: {  	[tilespmem:s11], [sflag:$0x3] =	stream.linear.gather [hbm4b:s6+s2], $0x2800, $0x38;
	[tilespmem:$0x1E800] =	vst v63  }
0x15: {  	_ =	swait.ge [sflag:s10], $0x2800  }
0x16: {  	[sflag:s10] =	ssyncset.done $0x0  }
0x17: {  	s19 =	simm.s32 $0x14000;
	[sflag:s10] =	ssyncadd.s32 $0xFFFFD800  }
0x18: {  	[tilespmem:s13], [sflag:$0x1] =	stream.indirect.gather [hbm4b:s3+s12], $0x80, s19, s12, $0xb8;
	[tilespmem:$0x1E800] =	vst v63  }
0x19: {  	s31 =	simm.s32 $0x14100  }
0x1a: {  	[tilespmem:s14], [sflag:$0x2] =	stream.indirect.gather [hbm4b:s3+s12], $0x80, s31, s12, $0xb8;
	[tilespmem:$0x1E800] =	vst v63  }
0x1b: {  	_ =	swait.ge [sflag:s15], $0x4000  }
0x1c: {  	[sflag:s15] =	ssyncset.done $0x0  }
0x1d: {  	[sflag:s15] =	ssyncadd.s32 $0xFFFFC000  }
0x1e: {  	_ =	swait.ge [sflag:s16], $0x4000  }
0x1f: {  	s20 =	simm.s32 $0x1000;
	s19 =	simm.s32 $0x200;
	[sflag:s16] =	ssyncset.done $0x0  }
.LBB2_2:
0x20: {  	s21 =	sadd.s32 $0x14000, s19  }
0x21: {  	[sflag:s16] =	ssyncadd.s32 $0xFFFFC000;
	s22 =	smov.u32 s20;
	s23 =	sadd.s32 $0x800, s20  }
0x22: {  	[tilespmem:s13], [sflag:$0x1] =	stream.indirect.gather [hbm4b:s3+s12], $0x80, s21, s12, $0xb8;
	[tilespmem:$0x1E800] =	vst v63  }
0x23: {  	p0 =	sne.s32 s20, $0x9800;
	s19 =	sadd.s32 $0x14100, s19  }
0x24: {  	[tilespmem:s14], [sflag:$0x2] =	stream.indirect.gather [hbm4b:s3+s12], $0x80, s19, s12, $0xb8;
	[tilespmem:$0x1E800] =	vst v63  }
.Ltmp0:
0x25: {  	_ =	swait.ge [sflag:s15], $0x4000;
	(pc) =	sbr.rel @p0 .LBB2_2-.Ltmp0, $4  }
0x26: {  	[sflag:s15] =	ssyncset.done $0x0  }
0x27: {  	[sflag:s15] =	ssyncadd.s32 $0xFFFFC000  }
0x28: {  	_ =	swait.ge [sflag:s16], $0x4000  }
0x29: {  	s20 =	smov.u32 s23;
	s19 =	sshra.s32 s22, $0x2;
	[sflag:s16] =	ssyncset.done $0x0  }
0x2a: {  	s20 =	sadd.s32 $0x14000, s19;
	[sflag:s16] =	ssyncadd.s32 $0xFFFFC000  }
0x2b: {  	[tilespmem:s13], [sflag:$0x1] =	stream.indirect.gather [hbm4b:s3+s12], $0x80, s20, s12, $0xb8;
	[tilespmem:$0x1E800] =	vst v63  }
0x2c: {  	s28 =	sadd.s32 $0x14100, s19  }
0x2d: {  	[tilespmem:s14], [sflag:$0x2] =	stream.indirect.gather [hbm4b:s3+s12], $0x80, s28, s12, $0xb8;
	[tilespmem:$0x1E800] =	vst v63  }
0x2e: {  	_ =	swait.ge [sflag:s15], $0x4000  }
0x2f: {  	[sflag:s15] =	ssyncset.done $0x0  }
0x30: {  	[sflag:s15] =	ssyncadd.s32 $0xFFFFC000  }
0x31: {  	_ =	swait.ge [sflag:s16], $0x4000  }
0x32: {  	[sflag:s16] =	ssyncset.done $0x0  }
0x33: {  	s29 =	simm.s32 $0x0;
	[sflag:s16] =	ssyncadd.s32 $0xFFFFC000  }
0x34: {  	[tilespmem:s11], [sflag:$0x3] =	stream.linear.gather [hbm4b:s17+s29], $0x2800, $0x38;
	[tilespmem:$0x1E800] =	vst v63  }
0x35: {  	_ =	swait.ge [sflag:s10], $0x2800  }
0x36: {  	[sflag:s10] =	ssyncset.done $0x0  }
0x37: {  	s30 =	simm.s32 $0x14000;
	[sflag:s10] =	ssyncadd.s32 $0xFFFFD800  }
0x38: {  	[tilespmem:s13], [sflag:$0x1] =	stream.indirect.gather [hbm4b:s3+s12], $0x80, s30, s12, $0xb8;
	[tilespmem:$0x1E800] =	vst v63  }
0x39: {  	s31 =	simm.s32 $0x14100  }
0x3a: {  	[tilespmem:s14], [sflag:$0x2] =	stream.indirect.gather [hbm4b:s3+s12], $0x80, s31, s12, $0xb8;
	[tilespmem:$0x1E800] =	vst v63  }
0x3b: {  	_ =	swait.ge [sflag:s15], $0x4000  }
0x3c: {  	[sflag:s15] =	ssyncset.done $0x0  }
0x3d: {  	[sflag:s15] =	ssyncadd.s32 $0xFFFFC000  }
0x3e: {  	_ =	swait.ge [sflag:s16], $0x4000  }
0x3f: {  	s19 =	simm.s32 $0x200;
	s20 =	simm.s32 $0x1000;
	[sflag:s16] =	ssyncset.done $0x0  }
.LBB2_4:
0x40: {  	s21 =	sadd.s32 $0x14000, s19  }
0x41: {  	[sflag:s16] =	ssyncadd.s32 $0xFFFFC000;
	s22 =	smov.u32 s20;
	s23 =	sadd.s32 $0x800, s20  }
0x42: {  	[tilespmem:s13], [sflag:$0x1] =	stream.indirect.gather [hbm4b:s3+s12], $0x80, s21, s12, $0xb8;
	[tilespmem:$0x1E800] =	vst v63  }
0x43: {  	p0 =	sne.s32 s20, $0x9800;
	s19 =	sadd.s32 $0x14100, s19  }
0x44: {  	[tilespmem:s14], [sflag:$0x2] =	stream.indirect.gather [hbm4b:s3+s12], $0x80, s19, s12, $0xb8;
	[tilespmem:$0x1E800] =	vst v63  }
.Ltmp1:
0x45: {  	_ =	swait.ge [sflag:s15], $0x4000;
	(pc) =	sbr.rel @p0 .LBB2_4-.Ltmp1, $4  }
0x46: {  	[sflag:s15] =	ssyncset.done $0x0  }
0x47: {  	[sflag:s15] =	ssyncadd.s32 $0xFFFFC000  }
0x48: {  	_ =	swait.ge [sflag:s16], $0x4000  }
0x49: {  	s20 =	smov.u32 s23;
	s19 =	sshra.s32 s22, $0x2;
	[sflag:s16] =	ssyncset.done $0x0  }
0x4a: {  	s20 =	sadd.s32 $0x14000, s19;
	[sflag:s16] =	ssyncadd.s32 $0xFFFFC000  }
0x4b: {  	[tilespmem:s13], [sflag:$0x1] =	stream.indirect.gather [hbm4b:s3+s12], $0x80, s20, s12, $0xb8;
	[tilespmem:$0x1E800] =	vst v63  }
0x4c: {  	s31 =	sadd.s32 $0x14100, s19  }
0x4d: {  	[tilespmem:s14], [sflag:$0x2] =	stream.indirect.gather [hbm4b:s3+s12], $0x80, s31, s12, $0xb8;
	[tilespmem:$0x1E800] =	vst v63  }
0x4e: {  	_ =	swait.ge [sflag:s15], $0x4000  }
0x4f: {  	[sflag:s15] =	ssyncset.done $0x0  }
0x50: {  	[sflag:s15] =	ssyncadd.s32 $0xFFFFC000  }
0x51: {  	_ =	swait.ge [sflag:s16], $0x4000  }
0x52: {  	s18 =	sadd.s32 $0x1, s18;
	[sflag:s16] =	ssyncset.done $0x0  }
0x53: {  	p0 =	sne.s32 s18, s8;
	[sflag:s16] =	ssyncadd.s32 $0xFFFFC000  }
.Ltmp2:
0x54: {  	[bflag:$0x0] =	sbarrier.arrive $0xFFFF;
	(pc) =	sbr.rel @p0 .LBB2_1-.Ltmp2, $4  }
0x55: {  	[hbm:s7], [sflag:s5] =	dma.local [spmem:s9], $0x2800  }
0x56: {  	_ =	swait.ge [sflag:s10], $0x2800  }
0x57: {  	[sflag:s10] =	ssyncset.done $0x0  }
0x58: {  	[sflag:s10] =	ssyncadd.s32 $0xFFFFD800  }
0x59: {  	_ =	sfence.sel $0x180000  }
0x5a: {  	[bflag:$0x0] =	sbarrier.arrive $0xFFFF  }
0x5b: {  	p0 =	sne.s32 s0, $0x0;
	_ =	strace $0x9000004D  }
0x5c: {  	s0 =	sadd.s32 @!p0 $0x100000, s1;
	[bflag:$0x2] =	sbarrier.arrive $0xFFFF  }
0x5d: {  	[sflag:s0] =	ssyncadd.tile.s32 @!p0 $0x1;
	_ =	shalt  }
.Lfunc_end2:
_tile_overlayer_lowered:
.L_overlay_start_2:
0x5e: {  	(tag) =	ssettag $0x2  }
0x5f: {  	s0 =	rddreg [dreg:$0x0];
	s2 =	stileid.u32  }
0x60: {  	s1 =	rddreg [dreg:$0x1];
	p0 =	sne.s32 s2, $0x0  }
0x61: {  	s3 =	rddreg [dreg:$0x2];
	[bflag:$0x3] =	sbarrier.arrive $0xFFFF;
	s2 =	simm.s32 @!p0 $0x1C03  }
0x62: {  	[timem:s3], [sflag:s2] =	dma.local @!p0 [hbm:s0], s1  }
0x63: {  	s0 =	simm.s32 @!p0 $0x3  }
0x64: {  	_ =	swait.ge @!p0 [sflag:s0], s1  }
0x65: {  	s1 =	ssub.s32 @!p0 $0x0, s1;
	[sflag:s0] =	ssyncset.done @!p0 $0x0  }
0x66: {  	[sflag:s0] =	ssyncadd.s32 @!p0 s1  }
0x67: {  	[bflag:$0x3] =	sbarrier.arrive $0xFFFF  }
0x68: {  	_ =	shalt  }

// kernel: kernel.21.cloned.1.call-start
scs
__scs_entry_jumppad:
0x0: {  	(pc) =	sbr.rel $0x88, $3  }
0x1: {  	(tag) =	ssettag $0x0;
	lr =	simm.s32 $0x1  }
0x2: {  	[smem:$0x3F93] =	sst lr;
	_ =	strace $0xD0000000  }
0x3: {  	_ = 	snop  }
0x4: {  	_ = 	snop  }
0x5: {  	_ = 	snop  }
0x6: {  	_ = 	snop  }
0x7: {  	_ = 	snop  }
__scs_overlays_trampoline_lowered:
0x8: {  	[smem:$0x3FA2] =	sst s0  }
0x9: {  	[smem:$0x3FA3] =	sst s1  }
0xa: {  	[smem:$0x3FA4] =	sst s2  }
0xb: {  	[smem:$0x3FA5] =	sst s3  }
0xc: {  	[smem:$0x3FA6] =	sst s4  }
0xd: {  	[smem:$0x3FA7] =	sst s5  }
0xe: {  	[smem:$0x3FA8] =	sst s6  }
0xf: {  	[smem:$0x3FA9] =	sst s7  }
0x10: {  	[smem:$0x3FAA] =	sst s8  }
0x11: {  	[smem:$0x3FAB] =	sst s9;
	s0 =	simm.s32 @!p0 $0x0  }
0x12: {  	s1 =	sld [smem:$0x3F91];
	s0 =	simm.s32 @p0 $0x1  }
0x13: {  	[smem:$0x3FAC] =	sst s0;
	s0 =	simm.s32 @!p1 $0x0  }
0x14: {  	s2 =	sld [smem:$0x3F90];
	s0 =	simm.s32 @p1 $0x1  }
0x15: {  	[smem:$0x3FAD] =	sst s0;
	s0 =	simm.s32 @!p2 $0x0  }
0x16: {  	s3 =	sld [smem:$0x3FDB];
	s0 =	simm.s32 @p2 $0x1  }
0x17: {  	s4 =	simm.s32 $0x1BF5;
	[smem:$0x3FAF] =	sst s0  }
0x18: {  	s0 =	sld [smem:$0x3F92];
	_ =	swait.ge [sflag:s4], $0x0  }
0x19: {  	s7 =	sld [smem:$0x3F93]  }
0x1a: {  	s8 =	sadd.s32 $0xFFFFE003, lr  }
0x1b: {  	s9 =	sadd.s32 $0xFFFFFEF7, lr;
	s5 =	simm.s32 $0xFFFFFFFF;
	p2 =	slt.u32 s8, $0xFFFFF086  }
0x1c: {  	p1 =	slt.u32 s9, $0xF7A;
	s5 =	simm.s32 @!p2 $0x0  }
0x1d: {  	s5 =	simm.s32 @p1 $0x1;
	p0 =	seq.s32 s7, s2  }
0x1e: {  	s7 =	smul.u32 @!p0 $0xF7A, s2;
	p2 =	seq.s32 @!p0 s5, $0x0  }
0x1f: {  	s9 =	smul.u32 $0xF7A, s1;
	s8 =	simm.s32 @!p0 $0x1BF5;
	p2 =	por !p2, p0  }
0x20: {  	[sflag:s8] =	ssyncset.s32 @!p0 $0xFFFFF086;
	s6 =	sadd.s32 @!p0 s3, s7;
	s7 =	simm.s32 @!p0 $0x108  }
0x21: {  	s3 =	sadd.s32 s3, s9;
	s6 =	sadd.s32 @!p0 $0x88, s6;
	s7 =	simm.s32 @p2 $0x1082  }
0x22: {  	[simem:s7], [sflag:s8] =	dma.local @!p0 [hbm:s6], $0xF7A  }
0x23: {  	s9 =	sor.u32 $0xD0000000, s2;
	s6 =	simm.s32 $0x108;
	_ =	swait.ge @!p0 [sflag:s8], $0x0  }
0x24: {  	s3 =	sadd.s32 $0x88, s3;
	s6 =	simm.s32 @!p1 $0x1082;
	[sflag:s4] =	ssyncset.s32 $0xFFFFF086  }
0x25: {  	[simem:s6], [sflag:s4] =	dma.local [hbm:s3], $0xF7A  }
0x26: {  	[smem:$0x3F93] =	sst s1;
	(tag) =	ssettag s2;
	_ =	strace s9  }
0x27: {  	s1 =	sld [smem:$0x3FA3]  }
0x28: {  	s2 =	sld [smem:$0x3FA4]  }
0x29: {  	s4 =	sld [smem:$0x3FA6]  }
0x2a: {  	p0 =	seq.s32 s5, $0x0;
	s5 =	sld [smem:$0x3FA7]  }
0x2b: {  	s6 =	sld [smem:$0x3FA8]  }
0x2c: {  	s7 =	sld [smem:$0x3FA9]  }
0x2d: {  	s3 =	simm.s32 $0x108;
	s8 =	sld [smem:$0x3FAA]  }
0x2e: {  	s3 =	simm.s32 @!p0 $0x1082;
	s9 =	sld [smem:$0x3FAB]  }
0x2f: {  	lr =	sadd.s32 s0, s3;
	s0 =	sld [smem:$0x3FA2]  }
0x30: {  	s3 =	sld [smem:$0x3FA5]  }
0x31: {  	[smem:$0x3FAE] =	sst s10  }
0x32: {  	s10 =	sld [smem:$0x3FAC];
	_ =	sdelay $0x3  }
0x33: {  	p0 =	seq.s32 s10, $0x1;
	s10 =	sld [smem:$0x3FAE];
	_ =	sdelay $0x3  }
0x34: {  	[smem:$0x3FAE] =	sst s10  }
0x35: {  	s10 =	sld [smem:$0x3FAD];
	_ =	sdelay $0x3  }
0x36: {  	p1 =	seq.s32 s10, $0x1;
	s10 =	sld [smem:$0x3FAE];
	_ =	sdelay $0x3  }
0x37: {  	[smem:$0x3FAE] =	sst s10  }
0x38: {  	s10 =	sld [smem:$0x3FAF]  }
0x39: {  	_ = 	snop;
	(pc) =	sbr.ind lr, $3  }
0x3a: {  	_ = 	snop  }
0x3b: {  	_ = 	snop  }
0x3c: {  	p2 =	seq.s32 s10, $0x1;
	s10 =	sld [smem:$0x3FAE]  }
0x3d: {  	_ =	shalt  }
0x3e: {  	_ =	shalt  }
0x3f: {  	_ =	shalt  }
0x40: {  	_ =	shalt  }
0x41: {  	_ =	shalt  }
0x42: {  	_ =	shalt  }
0x43: {  	_ =	shalt  }
0x44: {  	_ =	shalt  }
0x45: {  	_ =	shalt  }
0x46: {  	_ =	shalt  }
0x47: {  	_ =	shalt  }
0x48: {  	_ =	shalt  }
0x49: {  	_ =	shalt  }
0x4a: {  	_ =	shalt  }
0x4b: {  	_ =	shalt  }
0x4c: {  	_ =	shalt  }
0x4d: {  	_ =	shalt  }
0x4e: {  	_ =	shalt  }
0x4f: {  	_ =	shalt  }
0x50: {  	_ =	shalt  }
0x51: {  	_ =	shalt  }
0x52: {  	_ =	shalt  }
0x53: {  	_ =	shalt  }
0x54: {  	_ =	shalt  }
0x55: {  	_ =	shalt  }
0x56: {  	_ =	shalt  }
0x57: {  	_ =	shalt  }
0x58: {  	_ =	shalt  }
0x59: {  	_ =	shalt  }
0x5a: {  	_ =	shalt  }
0x5b: {  	_ =	shalt  }
0x5c: {  	_ =	shalt  }
0x5d: {  	_ =	shalt  }
0x5e: {  	_ =	shalt  }
0x5f: {  	_ =	shalt  }
0x60: {  	_ =	shalt  }
0x61: {  	_ =	shalt  }
0x62: {  	_ =	shalt  }
0x63: {  	_ =	shalt  }
0x64: {  	_ =	shalt  }
0x65: {  	_ =	shalt  }
0x66: {  	_ =	shalt  }
0x67: {  	_ =	shalt  }
0x68: {  	_ =	shalt  }
0x69: {  	_ =	shalt  }
0x6a: {  	_ =	shalt  }
0x6b: {  	_ =	shalt  }
0x6c: {  	_ =	shalt  }
0x6d: {  	_ =	shalt  }
0x6e: {  	_ =	shalt  }
0x6f: {  	_ =	shalt  }
0x70: {  	_ =	shalt  }
0x71: {  	_ =	shalt  }
0x72: {  	_ =	shalt  }
0x73: {  	_ =	shalt  }
0x74: {  	_ =	shalt  }
0x75: {  	_ =	shalt  }
0x76: {  	_ =	shalt  }
0x77: {  	_ =	shalt  }
0x78: {  	_ =	shalt  }
0x79: {  	_ =	shalt  }
0x7a: {  	_ =	shalt  }
0x7b: {  	_ =	shalt  }
0x7c: {  	_ =	shalt  }
0x7d: {  	_ =	shalt  }
0x7e: {  	_ =	shalt  }
0x7f: {  	_ =	shalt  }
0x80: {  	_ =	shalt  }
0x81: {  	_ =	shalt  }
0x82: {  	_ =	shalt  }
0x83: {  	_ =	shalt  }
0x84: {  	_ =	shalt  }
0x85: {  	_ =	shalt  }
0x86: {  	_ =	shalt  }
0x87: {  	_ =	shalt  }
.Lfunc_end0:
.L_simem_size_0:
called_computation.3_lowered:
.L_overlay_start_0:
0x88: {  	s2 =	sld [smem:$0x3FD9]  }
0x89: {  	s3 =	sld [smem:$0x3FFE];
	_ =	sdelay $0x1  }
0x8a: {  	s1 =	srdreg.scid  }
0x8b: {  	s0 =	sand.u32 $0x1, s1  }
0x8c: {  	s16 =	sshll.u32 s0, $0xA;
	s2 =	sadd.s32 s3, s2  }
0x8d: {  	s2 =	sadd.s32 s2, s16  }
0x8e: {  	[smem:$0x3FBA] =	sst s2  }
0x8f: {  	_ = 	snop  }
0x90: {  	(tm) =	ssettm $0x1  }
0x91: {  	s17 =	sld [smem:$0x3FFB];
	_ =	sdelay $0x3  }
0x92: {  	_ =	strace s17  }
0x93: {  	s2 =	sld [smem:$0x3FFC];
	_ =	sdelay $0x3  }
0x94: {  	_ =	strace s2  }
0x95: {  	s2 =	sld [smem:$0x3FFD];
	_ =	sdelay $0x3  }
0x96: {  	_ =	strace s2  }
0x97: {  	_ =	strace $0x8FFFFFFF  }
0x98: {  	s18 =	sld [smem:$0x3FDB];
	_ =	sdelay $0x1  }
0x99: {  	s19 =	simm.s32 $_scs_section_size  }
0x9a: {  	s4 =	simm.s32 $_size__tile_overlayer_lowered;
	s5 =	simm.s32 $_tile_overlayer_lowered  }
0x9b: {  	s22 =	simm.s32 $0x1BFF;
	s21 =	sshll.u32 s5, $0x1;
	s2 =	sadd.s32 s19, s18  }
0x9c: {  	s6 =	simm.s32 $0x0;
	s20 =	sshll.u32 s4, $0x1;
	s4 =	sadd.s32 s21, s2  }
0x9d: {  	[timem:s6], [sflag:s22] =	dma.local [hbm:s4], s20  }
0x9e: {  	_ =	swait.ge [sflag:s22], s20  }
0x9f: {  	s3 =	ssub.s32 $0x0, s20;
	[sflag:s22] =	ssyncset.done $0x0  }
0xa0: {  	[sflag:s22] =	ssyncadd.s32 s3;
	_ =	sdelay $0x1  }
0xa1: {  	s23 =	simm.s32 $0x1B8B  }
0xa2: {  	_ =	swait.ge [sflag:s23], $0x1  }
0xa3: {  	[sflag:s23] =	ssyncset.done $0x0  }
0xa4: {  	s25 =	simm.s32 $0x1B8E;
	s24 =	sld [smem:$0x3FFE];
	[sflag:s23] =	ssyncadd.s32 $0xFFFFFFFF  }
0xa5: {  	s26 =	simm.s32 $execute0_lowered;
	[smem:$0x3FD2] =	sst s25  }
0xa6: {  	s4 =	sshll.u32 s26, $0x1;
	_ =	strace $0x8000004F;
	[dreg:$0x1] =	wrdreg $0xFFFFFFFF  }
0xa7: {  	s28 =	simm.s32 $_size_execute0_lowered;
	s2 =	sadd.s32 s2, s4;
	[dreg:$0x0] =	wrdreg $0x0  }
0xa8: {  	s4 =	sshll.u32 s28, $0x1;
	[dreg:$0x2] =	wrdreg s2  }
0xa9: {  	[dreg:$0x3] =	wrdreg s4  }
0xaa: {  	[dreg:$0x4] =	wrdreg $0xC0  }
0xab: {  	_ =	task [dreg:s6], $0x5FFFF  }
0xac: {  	[dreg:$0x1] =	wrdreg $0xFFFFFFFF  }
0xad: {  	[dreg:$0x0] =	wrdreg $0x60  }
0xae: {  	[dreg:$0x2] =	wrdreg s24  }
0xaf: {  	[dreg:$0x3] =	wrdreg $0x0  }
0xb0: {  	[dreg:$0x4] =	wrdreg $0x9  }
0xb1: {  	_ =	task.clear_ibuf [dreg:s6], $0x5FFFF;
	_ =	strace $0x9000004F  }
0xb2: {  	s29 =	simm.s32 $0x9;
	_ =	strace $0x80000051  }
0xb3: {  	_ =	swait.ge [sflag:s29], $0x1  }
0xb4: {  	[sflag:s29] =	ssyncadd.s32 $0xFFFFFFFF  }
0xb5: {  	_ =	strace $0x90000051  }
0xb6: {  	_ =	sfence  }
0xb7: {  	s30 =	sld [smem:$0x0];
	_ =	sdelay $0x2  }
0xb8: {  	s31 =	sshll.u32 s1, $0xD;
	s1 =	sshrl.u32 s1, $0x2  }
0xb9: {  	s3 =	sand.u32 $0x4000, s31;
	s1 =	sadd.s32 s1, s30  }
0xba: {  	s0 =	sor.u32 s3, s0;
	s1 =	sshll.u32 s1, $0x11  }
0xbb: {  	s0 =	sor.u32 s1, s0  }
0xbc: {  	s0 =	sadd.s32 $0x8F2B, s0  }
0xbd: {  	[sflag:s0] =	ssyncadd.remote.s32 $0x1  }
0xbe: {  	_ =	sfence.sel $0xFFFF  }
0xbf: {  	[dreg:$0x0] =	wrdreg $0xFFFFFFFF;
	(pc) =	sbr.abs _section_cstart, $3  }
0xc0: {  	[dreg:$0x1] =	wrdreg $0xFFFFFFFF  }
0xc1: {  	_ =	task.clear_ibuf [dreg:s6], $0x2FFFF;
	_ =	strace $0x9FFFFFFF  }
0xc2: {  	(tm) =	ssettm $0x7FFFFFFF  }
0xc3: {  	_ =	shalt  }
tec
execute0_lowered:
.L_overlay_start_1:
0x0: {  	(tag) =	ssettag $0x1  }
0x1: {  	s1 =	srdreg.scid;
	s4 =	rddreg [dreg:$0x0]  }
0x2: {  	s0 =	stileid.u32;
	s6 =	rddreg [dreg:$0x1];
	s2 =	simm.s32 $0x0  }
0x3: {  	s12 =	simm.s32 $0x80;
	s13 =	simm.s32 $0x16800;
	s14 =	simm.s32 $0x1A800  }
0x4: {  	s15 =	simm.s32 $0x1;
	s16 =	simm.s32 $0x2;
	s18 =	simm.s32 $0x0  }
0x5: {  	s5 =	sand.u32 $0x1, s1;
	s1 =	rddreg [dreg:$0x2];
	s8 =	smul.u32 $0x2800, s0  }
0x6: {  	s26 =	sshll.u32 s0, $0x1;
	[smem:$0x7FF] =	sst s2;
	s10 =	smul.u32 $0x50000, s0  }
0x7: {  	s31 =	sshll.u32 s0, $0x6;
	s3 =	sor.u32 s5, s26;
	s9 =	smul.u32 $0x28000, s5  }
0x8: {  	_ =	strace $0x80000050;
	s5 =	ssub.s32 $0x2, s5;
	s7 =	smul.u32 $0xA00, s3  }
0x9: {  	s3 =	sadd.s32 $0x19800, s4;
	s11 =	sadd.s32 s8, s4;
	s28 =	sshrl.u32 s5, $0x1  }
0xa: {  	s29 =	sshrl.u32 s10, $0x2;
	s10 =	simm.s32 $0x3;
	s8 =	sadd.s32 s8, s9  }
0xb: {  	s30 =	ssub.s32 s5, s28;
	s9 =	sadd.s32 s29, s6;
	s5 =	sor.u32 $0x1C03, s31  }
0xc: {  	s7 =	sadd.s32 s7, s4;
	s8 =	sadd.s32 s8, s4;
	s4 =	sadd.s32 $0x40A00, s11  }
0xd: {  	s9 =	sshrl.u32 s9, $0x3;
	s11 =	simm.s32 $0x14000;
	s6 =	sadd.s32 $0x5800, s7  }
0xe: {  	s7 =	sadd.s32 $0x68A00, s8;
	s8 =	smax.u32 s30, $0x1;
	s17 =	sadd.s32 $0x500, s6  }
.LBB2_1:
0xf: {  	[spmem:s9], [sflag:s5] =	dma.local [hbm:s4], $0x2800  }
0x10: {  	_ =	swait.ge [sflag:s10], $0x2800  }
0x11: {  	[sflag:s10] =	ssyncset.done $0x0  }
0x12: {  	[sflag:s10] =	ssyncadd.s32 $0xFFFFD800  }
0x13: {  	[bflag:$0x0] =	sbarrier.arrive $0xFFFF  }
0x14: {  	[tilespmem:s11], [sflag:$0x3] =	stream.linear.gather [hbm4b:s6+s2], $0x2800, $0x38;
	[tilespmem:$0x1E800] =	vst v63  }
0x15: {  	_ =	swait.ge [sflag:s10], $0x2800  }
0x16: {  	[sflag:s10] =	ssyncset.done $0x0  }
0x17: {  	s19 =	simm.s32 $0x14000;
	[sflag:s10] =	ssyncadd.s32 $0xFFFFD800  }
0x18: {  	[tilespmem:s13], [sflag:$0x1] =	stream.indirect.gather [hbm4b:s3+s12], $0x80, s19, s12, $0xb8;
	[tilespmem:$0x1E800] =	vst v63  }
0x19: {  	s31 =	simm.s32 $0x14100  }
0x1a: {  	[tilespmem:s14], [sflag:$0x2] =	stream.indirect.gather [hbm4b:s3+s12], $0x80, s31, s12, $0xb8;
	[tilespmem:$0x1E800] =	vst v63  }
0x1b: {  	_ =	swait.ge [sflag:s15], $0x4000  }
0x1c: {  	[sflag:s15] =	ssyncset.done $0x0  }
0x1d: {  	[sflag:s15] =	ssyncadd.s32 $0xFFFFC000  }
0x1e: {  	_ =	swait.ge [sflag:s16], $0x4000  }
0x1f: {  	s20 =	simm.s32 $0x1000;
	s19 =	simm.s32 $0x200;
	[sflag:s16] =	ssyncset.done $0x0  }
.LBB2_2:
0x20: {  	s21 =	sadd.s32 $0x14000, s19  }
0x21: {  	[sflag:s16] =	ssyncadd.s32 $0xFFFFC000;
	s22 =	smov.u32 s20;
	s23 =	sadd.s32 $0x800, s20  }
0x22: {  	[tilespmem:s13], [sflag:$0x1] =	stream.indirect.gather [hbm4b:s3+s12], $0x80, s21, s12, $0xb8;
	[tilespmem:$0x1E800] =	vst v63  }
0x23: {  	p0 =	sne.s32 s20, $0x9800;
	s19 =	sadd.s32 $0x14100, s19  }
0x24: {  	[tilespmem:s14], [sflag:$0x2] =	stream.indirect.gather [hbm4b:s3+s12], $0x80, s19, s12, $0xb8;
	[tilespmem:$0x1E800] =	vst v63  }
.Ltmp0:
0x25: {  	_ =	swait.ge [sflag:s15], $0x4000;
	(pc) =	sbr.rel @p0 .LBB2_2-.Ltmp0, $4  }
0x26: {  	[sflag:s15] =	ssyncset.done $0x0  }
0x27: {  	[sflag:s15] =	ssyncadd.s32 $0xFFFFC000  }
0x28: {  	_ =	swait.ge [sflag:s16], $0x4000  }
0x29: {  	s20 =	smov.u32 s23;
	s19 =	sshra.s32 s22, $0x2;
	[sflag:s16] =	ssyncset.done $0x0  }
0x2a: {  	s20 =	sadd.s32 $0x14000, s19;
	[sflag:s16] =	ssyncadd.s32 $0xFFFFC000  }
0x2b: {  	[tilespmem:s13], [sflag:$0x1] =	stream.indirect.gather [hbm4b:s3+s12], $0x80, s20, s12, $0xb8;
	[tilespmem:$0x1E800] =	vst v63  }
0x2c: {  	s28 =	sadd.s32 $0x14100, s19  }
0x2d: {  	[tilespmem:s14], [sflag:$0x2] =	stream.indirect.gather [hbm4b:s3+s12], $0x80, s28, s12, $0xb8;
	[tilespmem:$0x1E800] =	vst v63  }
0x2e: {  	_ =	swait.ge [sflag:s15], $0x4000  }
0x2f: {  	[sflag:s15] =	ssyncset.done $0x0  }
0x30: {  	[sflag:s15] =	ssyncadd.s32 $0xFFFFC000  }
0x31: {  	_ =	swait.ge [sflag:s16], $0x4000  }
0x32: {  	[sflag:s16] =	ssyncset.done $0x0  }
0x33: {  	s29 =	simm.s32 $0x0;
	[sflag:s16] =	ssyncadd.s32 $0xFFFFC000  }
0x34: {  	[tilespmem:s11], [sflag:$0x3] =	stream.linear.gather [hbm4b:s17+s29], $0x2800, $0x38;
	[tilespmem:$0x1E800] =	vst v63  }
0x35: {  	_ =	swait.ge [sflag:s10], $0x2800  }
0x36: {  	[sflag:s10] =	ssyncset.done $0x0  }
0x37: {  	s30 =	simm.s32 $0x14000;
	[sflag:s10] =	ssyncadd.s32 $0xFFFFD800  }
0x38: {  	[tilespmem:s13], [sflag:$0x1] =	stream.indirect.gather [hbm4b:s3+s12], $0x80, s30, s12, $0xb8;
	[tilespmem:$0x1E800] =	vst v63  }
0x39: {  	s31 =	simm.s32 $0x14100  }
0x3a: {  	[tilespmem:s14], [sflag:$0x2] =	stream.indirect.gather [hbm4b:s3+s12], $0x80, s31, s12, $0xb8;
	[tilespmem:$0x1E800] =	vst v63  }
0x3b: {  	_ =	swait.ge [sflag:s15], $0x4000  }
0x3c: {  	[sflag:s15] =	ssyncset.done $0x0  }
0x3d: {  	[sflag:s15] =	ssyncadd.s32 $0xFFFFC000  }
0x3e: {  	_ =	swait.ge [sflag:s16], $0x4000  }
0x3f: {  	s19 =	simm.s32 $0x200;
	s20 =	simm.s32 $0x1000;
	[sflag:s16] =	ssyncset.done $0x0  }
.LBB2_4:
0x40: {  	s21 =	sadd.s32 $0x14000, s19  }
0x41: {  	[sflag:s16] =	ssyncadd.s32 $0xFFFFC000;
	s22 =	smov.u32 s20;
	s23 =	sadd.s32 $0x800, s20  }
0x42: {  	[tilespmem:s13], [sflag:$0x1] =	stream.indirect.gather [hbm4b:s3+s12], $0x80, s21, s12, $0xb8;
	[tilespmem:$0x1E800] =	vst v63  }
0x43: {  	p0 =	sne.s32 s20, $0x9800;
	s19 =	sadd.s32 $0x14100, s19  }
0x44: {  	[tilespmem:s14], [sflag:$0x2] =	stream.indirect.gather [hbm4b:s3+s12], $0x80, s19, s12, $0xb8;
	[tilespmem:$0x1E800] =	vst v63  }
.Ltmp1:
0x45: {  	_ =	swait.ge [sflag:s15], $0x4000;
	(pc) =	sbr.rel @p0 .LBB2_4-.Ltmp1, $4  }
0x46: {  	[sflag:s15] =	ssyncset.done $0x0  }
0x47: {  	[sflag:s15] =	ssyncadd.s32 $0xFFFFC000  }
0x48: {  	_ =	swait.ge [sflag:s16], $0x4000  }
0x49: {  	s20 =	smov.u32 s23;
	s19 =	sshra.s32 s22, $0x2;
	[sflag:s16] =	ssyncset.done $0x0  }
0x4a: {  	s20 =	sadd.s32 $0x14000, s19;
	[sflag:s16] =	ssyncadd.s32 $0xFFFFC000  }
0x4b: {  	[tilespmem:s13], [sflag:$0x1] =	stream.indirect.gather [hbm4b:s3+s12], $0x80, s20, s12, $0xb8;
	[tilespmem:$0x1E800] =	vst v63  }
0x4c: {  	s31 =	sadd.s32 $0x14100, s19  }
0x4d: {  	[tilespmem:s14], [sflag:$0x2] =	stream.indirect.gather [hbm4b:s3+s12], $0x80, s31, s12, $0xb8;
	[tilespmem:$0x1E800] =	vst v63  }
0x4e: {  	_ =	swait.ge [sflag:s15], $0x4000  }
0x4f: {  	[sflag:s15] =	ssyncset.done $0x0  }
0x50: {  	[sflag:s15] =	ssyncadd.s32 $0xFFFFC000  }
0x51: {  	_ =	swait.ge [sflag:s16], $0x4000  }
0x52: {  	s18 =	sadd.s32 $0x1, s18;
	[sflag:s16] =	ssyncset.done $0x0  }
0x53: {  	p0 =	sne.s32 s18, s8;
	[sflag:s16] =	ssyncadd.s32 $0xFFFFC000  }
.Ltmp2:
0x54: {  	[bflag:$0x0] =	sbarrier.arrive $0xFFFF;
	(pc) =	sbr.rel @p0 .LBB2_1-.Ltmp2, $4  }
0x55: {  	[hbm:s7], [sflag:s5] =	dma.local [spmem:s9], $0x2800  }
0x56: {  	_ =	swait.ge [sflag:s10], $0x2800  }
0x57: {  	[sflag:s10] =	ssyncset.done $0x0  }
0x58: {  	[sflag:s10] =	ssyncadd.s32 $0xFFFFD800  }
0x59: {  	_ =	sfence.sel $0x180000  }
0x5a: {  	[bflag:$0x0] =	sbarrier.arrive $0xFFFF  }
0x5b: {  	p0 =	sne.s32 s0, $0x0;
	_ =	strace $0x90000050  }
0x5c: {  	s0 =	sadd.s32 @!p0 $0x100000, s1;
	[bflag:$0x2] =	sbarrier.arrive $0xFFFF  }
0x5d: {  	[sflag:s0] =	ssyncadd.tile.s32 @!p0 $0x1;
	_ =	shalt  }
.Lfunc_end2:
_tile_overlayer_lowered:
.L_overlay_start_2:
0x5e: {  	(tag) =	ssettag $0x2  }
0x5f: {  	s0 =	rddreg [dreg:$0x0];
	s2 =	stileid.u32  }
0x60: {  	s1 =	rddreg [dreg:$0x1];
	p0 =	sne.s32 s2, $0x0  }
0x61: {  	s3 =	rddreg [dreg:$0x2];
	[bflag:$0x3] =	sbarrier.arrive $0xFFFF;
	s2 =	simm.s32 @!p0 $0x1C03  }
0x62: {  	[timem:s3], [sflag:s2] =	dma.local @!p0 [hbm:s0], s1  }
0x63: {  	s0 =	simm.s32 @!p0 $0x3  }
0x64: {  	_ =	swait.ge @!p0 [sflag:s0], s1  }
0x65: {  	s1 =	ssub.s32 @!p0 $0x0, s1;
	[sflag:s0] =	ssyncset.done @!p0 $0x0  }
0x66: {  	[sflag:s0] =	ssyncadd.s32 @!p0 s1  }
0x67: {  	[bflag:$0x3] =	sbarrier.arrive $0xFFFF  }
0x68: {  	_ =	shalt  }

</sc_bundles>
